<compile_context>
chip_gen: v7x
topology: tpu7x:2x2x1
jax: 0.10.2.dev20260603
libtpu: 0.0.44.dev20260713+nightly
codegen_flags: <defaults>
</compile_context>

<pallas_src>
import functools

import jax
import jax.numpy as jnp
from jax import lax
from jax.experimental import pallas as pl
from jax.experimental.pallas import tpu as pltpu
from jax.experimental.pallas import tpu_sc as plsc

N = 10000
E = 320000
F = 128
IN_DIM = F + 3
KPAD = 256
NPAD = 10240
NC, NS = 2, 16
NW = NC * NS
ROWS_PER_W = NPAD // NW

SCH = 8000
SNCH = E // SCH
SCAP = 8192
EL = E + 2 * SCAP
GCH = 256
GPAD = E + NW * 768
MBLK = GPAD // 64

_NEG_INF = float("-inf")


def _mm_ab_body(nf_ref, wa_ref, wb_ref, b1_ref, a_ref, b_ref):
    x = nf_ref[...]
    a_ref[...] = (
        jnp.dot(x, wa_ref[...], preferred_element_type=jnp.float32)
        + b1_ref[...]
    )
    b_ref[...] = jnp.dot(x, wb_ref[...], preferred_element_type=jnp.float32)


def _mm_msg_body(g_ref, w2_ref, b2_ref, o_ref):
    o_ref[...] = (
        jnp.dot(g_ref[...], w2_ref[...], preferred_element_type=jnp.float32)
        + b2_ref[...]
    )


_sc_mesh = plsc.VectorSubcoreMesh(
    core_axis_name="c", subcore_axis_name="s", num_cores=NC, num_subcores=NS
)

_sc_params = pltpu.CompilerParams(needs_layout_passes=False)


def _worker_id():
    return lax.axis_index("s") * NC + lax.axis_index("c")


def _read_entry(buf, i):
    return buf[pl.ds(i * 16, 16)][0]


@functools.partial(
    pl.kernel,
    out_type=[
        jax.ShapeDtypeStruct((NW * 16,), jnp.int32),
        jax.ShapeDtypeStruct((NW * EL,), jnp.int32),
    ],
    mesh=_sc_mesh,
    scratch_types=[
        pltpu.VMEM((SCH,), jnp.int32),
        pltpu.VMEM((SCAP,), jnp.int32),
        pltpu.VMEM((256,), jnp.int32),
    ],
    compiler_params=_sc_params,
)
def _scan_partition(dst_hbm, cnt_hbm, elist_hbm, dbuf, eidb, stage):
    wid = _worker_id()
    nbase = wid * ROWS_PER_W
    ebase_hbm = wid * EL
    iota16 = lax.iota(jnp.int32, 16)
    zero16 = jnp.zeros((16,), jnp.int32)

    def chunk(k, carry):
        off, samp = carry
        pltpu.sync_copy(dst_hbm.at[pl.ds(k * SCH, SCH)], dbuf)

        def scan(j, n):
            d = dbuf[pl.ds(j * 16, 16)]
            m = (d >= nbase) & (d < nbase + ROWS_PER_W)
            val = ((k * SCH + j * 16) + iota16) * 512 + (d - nbase)
            plsc.store_compressed(eidb.at[pl.ds(n, 16)], val, mask=m)
            cnt = plsc.all_reduce_population_count(m)
            return n + cnt[0]

        n = lax.fori_loop(0, SCH // 16, scan, jnp.int32(0))
        first = eidb[pl.ds(0, 16)][0]
        plsc.store_compressed(
            eidb.at[pl.ds(n, 16)],
            zero16 + first,
            mask=jnp.full((16,), True),
        )
        npad8 = ((n + 7) // 8) * 8
        dst_off = pl.multiple_of(ebase_hbm + off, 8)
        pltpu.sync_copy(eidb, elist_hbm.at[pl.ds(dst_off, SCAP)])
        samp = jnp.where(n > 0, first, samp)
        return off + npad8, samp

    total, samp = lax.fori_loop(
        0, SNCH, chunk, (jnp.int32(0), jnp.int32(0))
    )
    def fill_stage(i, c2):
        stage[pl.ds(i * 16, 16)] = zero16 + samp
        return c2

    lax.fori_loop(0, 16, fill_stage, 0)
    fill_off = pl.multiple_of(ebase_hbm + total, 8)
    pltpu.sync_copy(stage, elist_hbm.at[pl.ds(fill_off, 256)])
    n256 = ((total + GCH - 1) // GCH) * GCH
    stage[pl.ds(0, 16)] = zero16 + n256
    pltpu.sync_copy(stage.at[pl.ds(0, 16)], cnt_hbm.at[pl.ds(wid * 16, 16)])


def _my_offset_and_count(cbuf, wid):
    def step(i, off):
        v = _read_entry(cbuf, i)
        return off + jnp.where(i < wid, v, 0)

    off = lax.fori_loop(0, NW, step, jnp.int32(0))
    myn = _read_entry(cbuf, wid)
    return off, myn


@functools.partial(
    pl.kernel,
    out_type=[
        jax.ShapeDtypeStruct((GPAD, F), jnp.float32),
        jax.ShapeDtypeStruct((GPAD,), jnp.int32),
    ],
    mesh=_sc_mesh,
    scratch_types=[
        pltpu.VMEM((NW * 16 + 16,), jnp.int32),
        pltpu.VMEM((GCH,), jnp.int32),
        pltpu.VMEM((GCH,), jnp.int32),
        pltpu.VMEM((GCH,), jnp.int32),
        pltpu.VMEM((GCH,), jnp.int32),
        pltpu.VMEM((GCH, F), jnp.float32),
        pltpu.VMEM((GCH, F), jnp.float32),
        pltpu.SemaphoreType.DMA,
        pltpu.SemaphoreType.DMA,
    ],
    compiler_params=_sc_params,
)
def _gather_add_relu(cnt_hbm, elist_hbm, src_hbm, a_hbm, b_hbm,
                     g_hbm, odst_hbm, cbuf, ebuf, ebuf2, dgb, sgb,
                     abuf, bbuf, sem_a, sem_b):
    wid = _worker_id()
    nbase = wid * ROWS_PER_W
    pltpu.sync_copy(cnt_hbm, cbuf.at[pl.ds(0, NW * 16)])
    goff, myn = _my_offset_and_count(cbuf, wid)
    ebase_hbm = wid * EL

    def cond(k):
        return k * GCH < myn

    def body(k):
        pltpu.sync_copy(
            elist_hbm.at[pl.ds(pl.multiple_of(ebase_hbm + k * GCH, 8), GCH)],
            ebuf,
        )

        def unpack(i, c2):
            sl = pl.ds(i * 16, 16)
            v = ebuf[sl]
            ebuf2[sl] = lax.shift_right_logical(v, 9)
            dgb[sl] = (v & 511) + nbase
            return c2

        lax.fori_loop(0, GCH // 16, unpack, 0)
        cp_s = pltpu.async_copy(src_hbm.at[ebuf2], sgb, sem_b)
        cp_a = pltpu.async_copy(a_hbm.at[dgb], abuf, sem_a)
        cp_s.wait()
        cp_b = pltpu.async_copy(b_hbm.at[sgb], bbuf, sem_b)
        cp_a.wait()
        cp_b.wait()

        def erow(e, c2):
            for c in range(F // 16):
                sl = pl.ds(c * 16, 16)
                abuf[e, sl] = jnp.maximum(abuf[e, sl] + bbuf[e, sl], 0.0)
            return c2

        lax.fori_loop(0, GCH, erow, 0)
        row0 = pl.multiple_of(goff + k * GCH, 8)
        pltpu.sync_copy(abuf, g_hbm.at[pl.ds(row0, GCH)])
        pltpu.sync_copy(dgb, odst_hbm.at[pl.ds(row0, GCH)])
        return k + 1

    lax.while_loop(cond, body, jnp.int32(0))


@functools.partial(
    pl.kernel,
    out_type=jax.ShapeDtypeStruct((NPAD, F), jnp.float32),
    mesh=_sc_mesh,
    scratch_types=[
        pltpu.VMEM((ROWS_PER_W, F), jnp.float32),
        pltpu.VMEM((NW * 16 + 16,), jnp.int32),
        pltpu.VMEM((GCH + 16,), jnp.int32),
        pltpu.VMEM((GCH, F), jnp.float32),
    ],
    compiler_params=_sc_params,
)
def _segment_max(cnt_hbm, odst_hbm, msg_hbm, out_hbm,
                 acc, cbuf, dbuf, rowb):
    wid = _worker_id()
    nbase = wid * ROWS_PER_W
    neg = jnp.full((16,), _NEG_INF, jnp.float32)
    pltpu.sync_copy(cnt_hbm, cbuf.at[pl.ds(0, NW * 16)])
    goff, myn = _my_offset_and_count(cbuf, wid)

    def init_acc(r, c2):
        for c in range(F // 16):
            acc[r, pl.ds(c * 16, 16)] = neg
        return c2

    lax.fori_loop(0, ROWS_PER_W, init_acc, 0)

    def cond(k):
        return k * GCH < myn

    def body(k):
        row0 = pl.multiple_of(goff + k * GCH, 8)
        pltpu.sync_copy(msg_hbm.at[pl.ds(row0, GCH)], rowb)
        pltpu.sync_copy(odst_hbm.at[pl.ds(row0, GCH)], dbuf.at[pl.ds(0, GCH)])

        def accum(e, c2):
            lr = dbuf[pl.ds(e, 16)][0] - nbase

            @pl.when((lr >= 0) & (lr < ROWS_PER_W))
            def _():
                for c in range(F // 16):
                    sl = pl.ds(c * 16, 16)
                    acc[lr, sl] = jnp.maximum(acc[lr, sl], rowb[e, sl])

            return c2

        lax.fori_loop(0, GCH, accum, 0)
        return k + 1

    lax.while_loop(cond, body, jnp.int32(0))

    def finish(r, c2):
        for c in range(F // 16):
            sl = pl.ds(c * 16, 16)
            v = acc[r, sl]
            acc[r, sl] = jnp.where(v == neg, 0.0, v)
        return c2

    lax.fori_loop(0, ROWS_PER_W, finish, 0)
    pltpu.sync_copy(acc, out_hbm.at[pl.ds(nbase, ROWS_PER_W)])


def kernel(xyz, feat, edge_index, W1, b1, W2, b2):
    src = edge_index[0]
    dst = edge_index[1]

    wa = W1[:IN_DIM] - W1[IN_DIM:]
    wb = W1[IN_DIM:]
    wa = jnp.pad(wa, ((0, KPAD - IN_DIM), (0, 0)))
    wb = jnp.pad(wb, ((0, KPAD - IN_DIM), (0, 0)))
    nf = jnp.concatenate([feat, xyz], axis=-1)
    nf = jnp.pad(nf, ((0, NPAD - N), (0, KPAD - IN_DIM)))
    b1r = b1.reshape(1, F)
    b2r = b2.reshape(1, F)

    blk_n = NPAD // 8
    a_nodes, b_nodes = pl.pallas_call(
        _mm_ab_body,
        grid=(8,),
        in_specs=[
            pl.BlockSpec((blk_n, KPAD), lambda i: (i, 0)),
            pl.BlockSpec((KPAD, F), lambda i: (0, 0)),
            pl.BlockSpec((KPAD, F), lambda i: (0, 0)),
            pl.BlockSpec((1, F), lambda i: (0, 0)),
        ],
        out_specs=[
            pl.BlockSpec((blk_n, F), lambda i: (i, 0)),
            pl.BlockSpec((blk_n, F), lambda i: (i, 0)),
        ],
        out_shape=[
            jax.ShapeDtypeStruct((NPAD, F), jnp.float32),
            jax.ShapeDtypeStruct((NPAD, F), jnp.float32),
        ],
    )(nf, wa, wb, b1r)

    cnts, elist = _scan_partition(dst)

    g, odst = _gather_add_relu(cnts, elist, src, a_nodes, b_nodes)

    msg = pl.pallas_call(
        _mm_msg_body,
        grid=(GPAD // MBLK,),
        in_specs=[
            pl.BlockSpec((MBLK, F), lambda i: (i, 0)),
            pl.BlockSpec((F, F), lambda i: (0, 0)),
            pl.BlockSpec((1, F), lambda i: (0, 0)),
        ],
        out_specs=pl.BlockSpec((MBLK, F), lambda i: (i, 0)),
        out_shape=jax.ShapeDtypeStruct((GPAD, F), jnp.float32),
    )(g, W2, b2r)

    out = _segment_max(cnts, odst, msg)
    return out[:N]

# --- scband reference (transcript-rebuilt; emitter-appended) ---
"""Pipeline reference for scband-xyzedge-conv-43542378447070 (READ-ONLY COPY).

The authoritative reference and input builder live on the scoring server;
editing this copy changes nothing except your own understanding.
"""

import jax, jax.numpy as jnp
import numpy as np

N = 10000
E = 320000
F = 128
IN_DIM = F + 3          # feat_dim + 3 (xyz)
MLP_IN = 2 * IN_DIM     # EdgeConv concatenates [x_i, x_j - x_i]


def setup_inputs(seed: int = 0) -> dict:
    key = jax.random.key(seed)
    k1, k2, k3, k4, k5 = jax.random.split(key, 5)
    xyz = jax.random.normal(k1, (N, 3), dtype=jnp.float32)
    feat = jax.random.normal(k2, (N, F), dtype=jnp.float32)
    edge_index = jax.random.randint(k3, (2, E), 0, N, dtype=jnp.int32)
    # Parameters of mlp = Linear(2*(F+3), F) -> ReLU -> Linear(F, F)
    W1 = jax.random.normal(k4, (MLP_IN, F), dtype=jnp.float32) * 0.05
    b1 = jnp.zeros((F,), dtype=jnp.float32)
    W2 = jax.random.normal(k5, (F, F), dtype=jnp.float32) * 0.05
    b2 = jnp.zeros((F,), dtype=jnp.float32)
    return {"xyz": xyz, "feat": feat, "edge_index": edge_index,
            "W1": W1, "b1": b1, "W2": W2, "b2": b2}


def reference(xyz, feat, edge_index, W1, b1, W2, b2):
    # node_feat = cat([feat, xyz], dim=-1)
    node_feat = jnp.concatenate([feat, xyz], axis=-1)  # [N, F+3]
    src = edge_index[0]  # j (source)
    dst = edge_index[1]  # i (target), PyG convention: aggregate at dst
    x_i = jnp.take(node_feat, dst, axis=0)  # [E, F+3]
    x_j = jnp.take(node_feat, src, axis=0)  # [E, F+3]
    # EdgeConv message: mlp(cat([x_i, x_j - x_i]))
    m = jnp.concatenate([x_i, x_j - x_i], axis=-1)  # [E, 2*(F+3)]
    h = jnp.maximum(m @ W1 + b1, 0.0)
    msg = h @ W2 + b2  # [E, F]
    # aggr='max' over incoming edges per destination node
    out = jax.ops.segment_max(msg, dst, num_segments=node_feat.shape[0])
    # nodes with no incoming edges: fill -inf -> 0 (match scatter-max zero fill)
    out = jnp.where(jnp.isfinite(out), out, 0.0)
    return out

if __name__ == "__main__":
    import jax
    _d = setup_inputs()
    print(jax.jit(kernel)(*tuple(_d.values())))

</pallas_src>

<mosaic_0001>
#map = affine_map<(d0, d1) -> (0)>
#map1 = affine_map<(d0, d1) -> (0, 0)>
module attributes {stable_mosaic.version = 14 : i64} {
  func.func @_gather_add_relu(%arg0: i32, %arg1: i32, %arg2: memref<512xi32, #tpu.memory_space<hbm>>, %arg3: memref<10764288xi32, #tpu.memory_space<hbm>>, %arg4: memref<320000xi32, #tpu.memory_space<hbm>>, %arg5: memref<10240x128xf32, #tpu.memory_space<hbm>>, %arg6: memref<10240x128xf32, #tpu.memory_space<hbm>>, %arg7: memref<344576x128xf32, #tpu.memory_space<hbm>>, %arg8: memref<344576xi32, #tpu.memory_space<hbm>>, %arg9: memref<528xi32, #tpu.memory_space<vmem>>, %arg10: memref<256xi32, #tpu.memory_space<vmem>>, %arg11: memref<256xi32, #tpu.memory_space<vmem>>, %arg12: memref<256xi32, #tpu.memory_space<vmem>>, %arg13: memref<256xi32, #tpu.memory_space<vmem>>, %arg14: memref<256x128xf32, #tpu.memory_space<vmem>>, %arg15: memref<256x128xf32, #tpu.memory_space<vmem>>, %arg16: memref<!tpu.dma_semaphore, #tpu.memory_space<semaphore_mem>>, %arg17: memref<!tpu.dma_semaphore, #tpu.memory_space<semaphore_mem>>) attributes {dimension_semantics = [#tpu.dimension_semantics<core_parallel>, #tpu.dimension_semantics<subcore_parallel>], iteration_bounds = array<i64: 2, 16>, scalar_prefetch = 0 : i64, scratch_operands = 9 : i64, tpu.core_type = #tpu.core_type<sc_vector_subcore>, window_params = [{transform_indices = #map}, {transform_indices = #map}, {transform_indices = #map}, {transform_indices = #map1}, {transform_indices = #map1}, {transform_indices = #map1}, {transform_indices = #map}]} {
    %mul3A = arith.constant 2 : i32
    %mul3A_0 = arith.muli %arg1, %mul3A : i32
    %add3A = arith.addi %mul3A_0, %arg0 : i32
    %mul3A_1 = arith.constant 320 : i32
    %mul3A_2 = arith.muli %add3A, %mul3A_1 : i32
    "tpu.region"() ({
      %run_scoped3A = tpu.sem_alloc : memref<!tpu.dma_semaphore, #tpu.memory_space<semaphore_mem>>
      %dma_start3A = arith.constant 0 : i32
      %dma_start3A_15 = tpu.memref_slice %arg9[%dma_start3A] : memref<528xi32, #tpu.memory_space<vmem>> -> memref<512xi32, #tpu.memory_space<vmem>>
      %dma_start3A_16 = arith.constant 0 : i32
      %dma_start3A_17 = tpu.memref_slice %arg9[%dma_start3A_16] : memref<528xi32, #tpu.memory_space<vmem>> -> memref<512xi32, #tpu.memory_space<vmem>>
      tpu.enqueue_dma source(%arg2 : memref<512xi32, #tpu.memory_space<hbm>>) target(%dma_start3A_17 : memref<512xi32, #tpu.memory_space<vmem>>) target_semaphore(%run_scoped3A : memref<!tpu.dma_semaphore, #tpu.memory_space<semaphore_mem>>)
      %dma_wait3A = arith.constant 0 : i32
      %dma_wait3A_18 = tpu.memref_slice %arg9[%dma_wait3A] : memref<528xi32, #tpu.memory_space<vmem>> -> memref<512xi32, #tpu.memory_space<vmem>>
      %dma_wait3A_19 = arith.constant 0 : i32
      %dma_wait3A_20 = tpu.memref_slice %arg9[%dma_wait3A_19] : memref<528xi32, #tpu.memory_space<vmem>> -> memref<512xi32, #tpu.memory_space<vmem>>
      tpu.wait_dma2 semaphore(%run_scoped3A : memref<!tpu.dma_semaphore, #tpu.memory_space<semaphore_mem>>) src(%arg2 : memref<512xi32, #tpu.memory_space<hbm>>) dst(%dma_wait3A_20 : memref<512xi32, #tpu.memory_space<vmem>>)
      tpu.yield
    }) : () -> ()
    %scan3A = arith.constant 0 : i32
    %scan3A_3 = arith.constant 0 : i32
    %scan3A_4 = arith.constant 32 : i32
    %scan3A_5 = arith.addi %scan3A_3, %scan3A_4 : i32
    %scan3A_6 = arith.constant 1 : i32
    %scan3A_7 = scf.for %scan3A_15 = %scan3A_3 to %scan3A_5 step %scan3A_6 iter_args(%scan3A_16 = %scan3A) -> (i32)  : i32 {
      %mul3A_17 = arith.constant 16 : i32
      %mul3A_18 = arith.muli %scan3A_15, %mul3A_17 : i32
      %get3A_19 = arith.index_cast %mul3A_18 : i32 to index
      %get3A_20 = tpu.vector_load %arg9[%get3A_19] {strides = array<i32>} : memref<528xi32, #tpu.memory_space<vmem>>, vector<16xi32>,
      %slice3A_21 = vector.extract_strided_slice %get3A_20 {offsets = [0], sizes = [1], strides = [1]} : vector<16xi32> to vector<1xi32>
      %squeeze3A_22 = vector.extract %slice3A_21[0] : i32 from vector<1xi32>
      %lt3A = arith.cmpi slt, %scan3A_15, %add3A : i32
      %jit3A = arith.constant 0 : i32
      %select_n3A = arith.select %lt3A, %squeeze3A_22, %jit3A : i32
      %add3A_23 = arith.addi %scan3A_16, %select_n3A : i32
      scf.yield %add3A_23 : i32
    }
    %scan3A_8 = arith.constant 32 : i32
    %mul3A_9 = arith.constant 16 : i32
    %mul3A_10 = arith.muli %add3A, %mul3A_9 : i32
    %get3A = arith.index_cast %mul3A_10 : i32 to index
    %get3A_11 = tpu.vector_load %arg9[%get3A] {strides = array<i32>} : memref<528xi32, #tpu.memory_space<vmem>>, vector<16xi32>,
    %slice3A = vector.extract_strided_slice %get3A_11 {offsets = [0], sizes = [1], strides = [1]} : vector<16xi32> to vector<1xi32>
    %squeeze3A = vector.extract %slice3A[0] : i32 from vector<1xi32>
    %mul3A_12 = arith.constant 336384 : i32
    %mul3A_13 = arith.muli %add3A, %mul3A_12 : i32
    %while3A = arith.constant 0 : i32
    %while3A_14 = scf.while (%while3A_15 = %while3A) : (i32) -> i32 {
      %mul3A_16 = arith.constant 256 : i32
      %mul3A_17 = arith.muli %while3A_15, %mul3A_16 : i32
      %lt3A = arith.cmpi slt, %mul3A_17, %squeeze3A : i32
      scf.condition(%lt3A) %while3A_15 : i32
    } do {
    ^bb0(%while3A_15: i32):
      %mul3A_16 = arith.constant 256 : i32
      %mul3A_17 = arith.muli %while3A_15, %mul3A_16 : i32
      %add3A_18 = arith.addi %mul3A_13, %mul3A_17 : i32
      %multiple_of3A = tpu.assume_multiple %add3A_18, 8 : i32
      "tpu.region"() ({
        %run_scoped3A = tpu.sem_alloc : memref<!tpu.dma_semaphore, #tpu.memory_space<semaphore_mem>>
        %dma_start3A_51 = tpu.memref_slice %arg3[%multiple_of3A] : memref<10764288xi32, #tpu.memory_space<hbm>> -> memref<256xi32, #tpu.memory_space<hbm>>
        %dma_start3A_52 = tpu.memref_slice %arg3[%multiple_of3A] : memref<10764288xi32, #tpu.memory_space<hbm>> -> memref<256xi32, #tpu.memory_space<hbm>>
        tpu.enqueue_dma source(%dma_start3A_52 : memref<256xi32, #tpu.memory_space<hbm>>) target(%arg10 : memref<256xi32, #tpu.memory_space<vmem>>) target_semaphore(%run_scoped3A : memref<!tpu.dma_semaphore, #tpu.memory_space<semaphore_mem>>)
        %dma_wait3A_53 = tpu.memref_slice %arg3[%multiple_of3A] : memref<10764288xi32, #tpu.memory_space<hbm>> -> memref<256xi32, #tpu.memory_space<hbm>>
        %dma_wait3A_54 = tpu.memref_slice %arg3[%multiple_of3A] : memref<10764288xi32, #tpu.memory_space<hbm>> -> memref<256xi32, #tpu.memory_space<hbm>>
        tpu.wait_dma2 semaphore(%run_scoped3A : memref<!tpu.dma_semaphore, #tpu.memory_space<semaphore_mem>>) src(%dma_wait3A_54 : memref<256xi32, #tpu.memory_space<hbm>>) dst(%arg10 : memref<256xi32, #tpu.memory_space<vmem>>)
        tpu.yield
      }) : () -> ()
      %scan3A_19 = arith.constant 0 : i32
      %scan3A_20 = arith.constant 0 : i32
      %scan3A_21 = arith.constant 16 : i32
      %scan3A_22 = arith.addi %scan3A_20, %scan3A_21 : i32
      %scan3A_23 = arith.constant 1 : i32
      scf.for %scan3A_51 = %scan3A_20 to %scan3A_22 step %scan3A_23  : i32 {
        %mul3A_52 = arith.constant 16 : i32
        %mul3A_53 = arith.muli %scan3A_51, %mul3A_52 : i32
        %get3A_54 = arith.index_cast %mul3A_53 : i32 to index
        %get3A_55 = tpu.vector_load %arg10[%get3A_54] {strides = array<i32>} : memref<256xi32, #tpu.memory_space<vmem>>, vector<16xi32>,
        %shift_right_logical3A = arith.constant 9 : i32
        %shift_right_logical3A_56 = vector.broadcast %shift_right_logical3A : i32 to vector<16xi32>
        %shift_right_logical3A_57 = arith.shrui %get3A_55, %shift_right_logical3A_56 : vector<16xi32>
        %swap3A = arith.index_cast %mul3A_53 : i32 to index
        %swap3A_58 = tpu.vector_load %arg11[%swap3A] {strides = array<i32>} : memref<256xi32, #tpu.memory_space<vmem>>, vector<16xi32>,
        tpu.vector_store %arg11[%swap3A], %shift_right_logical3A_57 {strides = array<i32>} : memref<256xi32, #tpu.memory_space<vmem>>, vector<16xi32>,
        %and3A = arith.constant 511 : i32
        %and3A_59 = vector.broadcast %and3A : i32 to vector<16xi32>
        %and3A_60 = arith.andi %get3A_55, %and3A_59 : vector<16xi32>
        %add3A_61 = vector.broadcast %mul3A_2 : i32 to vector<16xi32>
        %add3A_62 = arith.addi %and3A_60, %add3A_61 : vector<16xi32>
        %swap3A_63 = arith.index_cast %mul3A_53 : i32 to index
        %swap3A_64 = tpu.vector_load %arg12[%swap3A_63] {strides = array<i32>} : memref<256xi32, #tpu.memory_space<vmem>>, vector<16xi32>,
        tpu.vector_store %arg12[%swap3A_63], %add3A_62 {strides = array<i32>} : memref<256xi32, #tpu.memory_space<vmem>>, vector<16xi32>,
      }
      %scan3A_24 = arith.constant 16 : i32
      %dma_start3A = arith.constant 0 : i32
      %dma_start3A_25 = tpu.memref_slice %arg4[%dma_start3A] : memref<320000xi32, #tpu.memory_space<hbm>> -> memref<320000xi32, #tpu.memory_space<hbm>>
      tpu.enqueue_indirect_dma source(%dma_start3A_25 : memref<320000xi32, #tpu.memory_space<hbm>>) target(%arg13 : memref<256xi32, #tpu.memory_space<vmem>>) offsets(%arg11 : memref<256xi32, #tpu.memory_space<vmem>>) semaphore(%arg17 : memref<!tpu.dma_semaphore, #tpu.memory_space<semaphore_mem>>)
      %dma_start3A_26 = arith.constant 0 : i32
      %dma_start3A_27 = arith.constant 0 : i32
      %dma_start3A_28 = tpu.memref_slice %arg5[%dma_start3A_26, %dma_start3A_27] : memref<10240x128xf32, #tpu.memory_space<hbm>> -> memref<10240x128xf32, #tpu.memory_space<hbm>>
      tpu.enqueue_indirect_dma source(%dma_start3A_28 : memref<10240x128xf32, #tpu.memory_space<hbm>>) target(%arg14 : memref<256x128xf32, #tpu.memory_space<vmem>>) offsets(%arg12 : memref<256xi32, #tpu.memory_space<vmem>>) semaphore(%arg16 : memref<!tpu.dma_semaphore, #tpu.memory_space<semaphore_mem>>)
      %dma_wait3A = arith.constant 0 : i32
      %dma_wait3A_29 = tpu.memref_slice %arg4[%dma_wait3A] : memref<320000xi32, #tpu.memory_space<hbm>> -> memref<320000xi32, #tpu.memory_space<hbm>>
      tpu.wait_indirect_dma semaphore(%arg17 : memref<!tpu.dma_semaphore, #tpu.memory_space<semaphore_mem>>) src(%dma_wait3A_29 : memref<320000xi32, #tpu.memory_space<hbm>>) dst(%arg13 : memref<256xi32, #tpu.memory_space<vmem>>)
      %dma_start3A_30 = arith.constant 0 : i32
      %dma_start3A_31 = arith.constant 0 : i32
      %dma_start3A_32 = tpu.memref_slice %arg6[%dma_start3A_30, %dma_start3A_31] : memref<10240x128xf32, #tpu.memory_space<hbm>> -> memref<10240x128xf32, #tpu.memory_space<hbm>>
      tpu.enqueue_indirect_dma source(%dma_start3A_32 : memref<10240x128xf32, #tpu.memory_space<hbm>>) target(%arg15 : memref<256x128xf32, #tpu.memory_space<vmem>>) offsets(%arg13 : memref<256xi32, #tpu.memory_space<vmem>>) semaphore(%arg17 : memref<!tpu.dma_semaphore, #tpu.memory_space<semaphore_mem>>)
      %dma_wait3A_33 = arith.constant 0 : i32
      %dma_wait3A_34 = arith.constant 0 : i32
      %dma_wait3A_35 = tpu.memref_slice %arg5[%dma_wait3A_33, %dma_wait3A_34] : memref<10240x128xf32, #tpu.memory_space<hbm>> -> memref<10240x128xf32, #tpu.memory_space<hbm>>
      tpu.wait_indirect_dma semaphore(%arg16 : memref<!tpu.dma_semaphore, #tpu.memory_space<semaphore_mem>>) src(%dma_wait3A_35 : memref<10240x128xf32, #tpu.memory_space<hbm>>) dst(%arg14 : memref<256x128xf32, #tpu.memory_space<vmem>>)
      %dma_wait3A_36 = arith.constant 0 : i32
      %dma_wait3A_37 = arith.constant 0 : i32
      %dma_wait3A_38 = tpu.memref_slice %arg6[%dma_wait3A_36, %dma_wait3A_37] : memref<10240x128xf32, #tpu.memory_space<hbm>> -> memref<10240x128xf32, #tpu.memory_space<hbm>>
      tpu.wait_indirect_dma semaphore(%arg17 : memref<!tpu.dma_semaphore, #tpu.memory_space<semaphore_mem>>) src(%dma_wait3A_38 : memref<10240x128xf32, #tpu.memory_space<hbm>>) dst(%arg15 : memref<256x128xf32, #tpu.memory_space<vmem>>)
      %scan3A_39 = arith.constant 0 : i32
      %scan3A_40 = arith.constant 0 : i32
      %scan3A_41 = arith.constant 256 : i32
      %scan3A_42 = arith.addi %scan3A_40, %scan3A_41 : i32
      %scan3A_43 = arith.constant 1 : i32
      scf.for %scan3A_51 = %scan3A_40 to %scan3A_42 step %scan3A_43  : i32 {
        %get3A_52 = arith.index_cast %scan3A_51 : i32 to index
        %get3A_53 = arith.constant 0 : index
        %get3A_54 = tpu.vector_load %arg14[%get3A_52, %get3A_53] {strides = array<i32>} : memref<256x128xf32, #tpu.memory_space<vmem>>, vector<16xf32>,
        %get3A_55 = arith.index_cast %scan3A_51 : i32 to index
        %get3A_56 = arith.constant 0 : index
        %get3A_57 = tpu.vector_load %arg15[%get3A_55, %get3A_56] {strides = array<i32>} : memref<256x128xf32, #tpu.memory_space<vmem>>, vector<16xf32>,
        %add3A_58 = arith.addf %get3A_54, %get3A_57 : vector<16xf32>
        %max3A = arith.constant 0.000000e+00 : f32
        %max3A_59 = vector.broadcast %max3A : f32 to vector<16xf32>
        %max3A_60 = arith.maximumf %add3A_58, %max3A_59 : vector<16xf32>
        %swap3A = arith.index_cast %scan3A_51 : i32 to index
        %swap3A_61 = arith.constant 0 : index
        %swap3A_62 = tpu.vector_load %arg14[%swap3A, %swap3A_61] {strides = array<i32>} : memref<256x128xf32, #tpu.memory_space<vmem>>, vector<16xf32>,
        tpu.vector_store %arg14[%swap3A, %swap3A_61], %max3A_60 {strides = array<i32>} : memref<256x128xf32, #tpu.memory_space<vmem>>, vector<16xf32>,
        %get3A_63 = arith.index_cast %scan3A_51 : i32 to index
        %get3A_64 = arith.constant 16 : index
        %get3A_65 = tpu.vector_load %arg14[%get3A_63, %get3A_64] {strides = array<i32>} : memref<256x128xf32, #tpu.memory_space<vmem>>, vector<16xf32>,
        %get3A_66 = arith.index_cast %scan3A_51 : i32 to index
        %get3A_67 = arith.constant 16 : index
        %get3A_68 = tpu.vector_load %arg15[%get3A_66, %get3A_67] {strides = array<i32>} : memref<256x128xf32, #tpu.memory_space<vmem>>, vector<16xf32>,
        %add3A_69 = arith.addf %get3A_65, %get3A_68 : vector<16xf32>
        %max3A_70 = arith.constant 0.000000e+00 : f32
        %max3A_71 = vector.broadcast %max3A_70 : f32 to vector<16xf32>
        %max3A_72 = arith.maximumf %add3A_69, %max3A_71 : vector<16xf32>
        %swap3A_73 = arith.index_cast %scan3A_51 : i32 to index
        %swap3A_74 = arith.constant 16 : index
        %swap3A_75 = tpu.vector_load %arg14[%swap3A_73, %swap3A_74] {strides = array<i32>} : memref<256x128xf32, #tpu.memory_space<vmem>>, vector<16xf32>,
        tpu.vector_store %arg14[%swap3A_73, %swap3A_74], %max3A_72 {strides = array<i32>} : memref<256x128xf32, #tpu.memory_space<vmem>>, vector<16xf32>,
        %get3A_76 = arith.index_cast %scan3A_51 : i32 to index
        %get3A_77 = arith.constant 32 : index
        %get3A_78 = tpu.vector_load %arg14[%get3A_76, %get3A_77] {strides = array<i32>} : memref<256x128xf32, #tpu.memory_space<vmem>>, vector<16xf32>,
        %get3A_79 = arith.index_cast %scan3A_51 : i32 to index
        %get3A_80 = arith.constant 32 : index
        %get3A_81 = tpu.vector_load %arg15[%get3A_79, %get3A_80] {strides = array<i32>} : memref<256x128xf32, #tpu.memory_space<vmem>>, vector<16xf32>,
        %add3A_82 = arith.addf %get3A_78, %get3A_81 : vector<16xf32>
        %max3A_83 = arith.constant 0.000000e+00 : f32
        %max3A_84 = vector.broadcast %max3A_83 : f32 to vector<16xf32>
        %max3A_85 = arith.maximumf %add3A_82, %max3A_84 : vector<16xf32>
        %swap3A_86 = arith.index_cast %scan3A_51 : i32 to index
        %swap3A_87 = arith.constant 32 : index
        %swap3A_88 = tpu.vector_load %arg14[%swap3A_86, %swap3A_87] {strides = array<i32>} : memref<256x128xf32, #tpu.memory_space<vmem>>, vector<16xf32>,
        tpu.vector_store %arg14[%swap3A_86, %swap3A_87], %max3A_85 {strides = array<i32>} : memref<256x128xf32, #tpu.memory_space<vmem>>, vector<16xf32>,
        %get3A_89 = arith.index_cast %scan3A_51 : i32 to index
        %get3A_90 = arith.constant 48 : index
        %get3A_91 = tpu.vector_load %arg14[%get3A_89, %get3A_90] {strides = array<i32>} : memref<256x128xf32, #tpu.memory_space<vmem>>, vector<16xf32>,
        %get3A_92 = arith.index_cast %scan3A_51 : i32 to index
        %get3A_93 = arith.constant 48 : index
        %get3A_94 = tpu.vector_load %arg15[%get3A_92, %get3A_93] {strides = array<i32>} : memref<256x128xf32, #tpu.memory_space<vmem>>, vector<16xf32>,
        %add3A_95 = arith.addf %get3A_91, %get3A_94 : vector<16xf32>
        %max3A_96 = arith.constant 0.000000e+00 : f32
        %max3A_97 = vector.broadcast %max3A_96 : f32 to vector<16xf32>
        %max3A_98 = arith.maximumf %add3A_95, %max3A_97 : vector<16xf32>
        %swap3A_99 = arith.index_cast %scan3A_51 : i32 to index
        %swap3A_100 = arith.constant 48 : index
        %swap3A_101 = tpu.vector_load %arg14[%swap3A_99, %swap3A_100] {strides = array<i32>} : memref<256x128xf32, #tpu.memory_space<vmem>>, vector<16xf32>,
        tpu.vector_store %arg14[%swap3A_99, %swap3A_100], %max3A_98 {strides = array<i32>} : memref<256x128xf32, #tpu.memory_space<vmem>>, vector<16xf32>,
        %get3A_102 = arith.index_cast %scan3A_51 : i32 to index
        %get3A_103 = arith.constant 64 : index
        %get3A_104 = tpu.vector_load %arg14[%get3A_102, %get3A_103] {strides = array<i32>} : memref<256x128xf32, #tpu.memory_space<vmem>>, vector<16xf32>,
        %get3A_105 = arith.index_cast %scan3A_51 : i32 to index
        %get3A_106 = arith.constant 64 : index
        %get3A_107 = tpu.vector_load %arg15[%get3A_105, %get3A_106] {strides = array<i32>} : memref<256x128xf32, #tpu.memory_space<vmem>>, vector<16xf32>,
        %add3A_108 = arith.addf %get3A_104, %get3A_107 : vector<16xf32>
        %max3A_109 = arith.constant 0.000000e+00 : f32
        %max3A_110 = vector.broadcast %max3A_109 : f32 to vector<16xf32>
        %max3A_111 = arith.maximumf %add3A_108, %max3A_110 : vector<16xf32>
        %swap3A_112 = arith.index_cast %scan3A_51 : i32 to index
        %swap3A_113 = arith.constant 64 : index
        %swap3A_114 = tpu.vector_load %arg14[%swap3A_112, %swap3A_113] {strides = array<i32>} : memref<256x128xf32, #tpu.memory_space<vmem>>, vector<16xf32>,
        tpu.vector_store %arg14[%swap3A_112, %swap3A_113], %max3A_111 {strides = array<i32>} : memref<256x128xf32, #tpu.memory_space<vmem>>, vector<16xf32>,
        %get3A_115 = arith.index_cast %scan3A_51 : i32 to index
        %get3A_116 = arith.constant 80 : index
        %get3A_117 = tpu.vector_load %arg14[%get3A_115, %get3A_116] {strides = array<i32>} : memref<256x128xf32, #tpu.memory_space<vmem>>, vector<16xf32>,
        %get3A_118 = arith.index_cast %scan3A_51 : i32 to index
        %get3A_119 = arith.constant 80 : index
        %get3A_120 = tpu.vector_load %arg15[%get3A_118, %get3A_119] {strides = array<i32>} : memref<256x128xf32, #tpu.memory_space<vmem>>, vector<16xf32>,
        %add3A_121 = arith.addf %get3A_117, %get3A_120 : vector<16xf32>
        %max3A_122 = arith.constant 0.000000e+00 : f32
        %max3A_123 = vector.broadcast %max3A_122 : f32 to vector<16xf32>
        %max3A_124 = arith.maximumf %add3A_121, %max3A_123 : vector<16xf32>
        %swap3A_125 = arith.index_cast %scan3A_51 : i32 to index
        %swap3A_126 = arith.constant 80 : index
        %swap3A_127 = tpu.vector_load %arg14[%swap3A_125, %swap3A_126] {strides = array<i32>} : memref<256x128xf32, #tpu.memory_space<vmem>>, vector<16xf32>,
        tpu.vector_store %arg14[%swap3A_125, %swap3A_126], %max3A_124 {strides = array<i32>} : memref<256x128xf32, #tpu.memory_space<vmem>>, vector<16xf32>,
        %get3A_128 = arith.index_cast %scan3A_51 : i32 to index
        %get3A_129 = arith.constant 96 : index
        %get3A_130 = tpu.vector_load %arg14[%get3A_128, %get3A_129] {strides = array<i32>} : memref<256x128xf32, #tpu.memory_space<vmem>>, vector<16xf32>,
        %get3A_131 = arith.index_cast %scan3A_51 : i32 to index
        %get3A_132 = arith.constant 96 : index
        %get3A_133 = tpu.vector_load %arg15[%get3A_131, %get3A_132] {strides = array<i32>} : memref<256x128xf32, #tpu.memory_space<vmem>>, vector<16xf32>,
        %add3A_134 = arith.addf %get3A_130, %get3A_133 : vector<16xf32>
        %max3A_135 = arith.constant 0.000000e+00 : f32
        %max3A_136 = vector.broadcast %max3A_135 : f32 to vector<16xf32>
        %max3A_137 = arith.maximumf %add3A_134, %max3A_136 : vector<16xf32>
        %swap3A_138 = arith.index_cast %scan3A_51 : i32 to index
        %swap3A_139 = arith.constant 96 : index
        %swap3A_140 = tpu.vector_load %arg14[%swap3A_138, %swap3A_139] {strides = array<i32>} : memref<256x128xf32, #tpu.memory_space<vmem>>, vector<16xf32>,
        tpu.vector_store %arg14[%swap3A_138, %swap3A_139], %max3A_137 {strides = array<i32>} : memref<256x128xf32, #tpu.memory_space<vmem>>, vector<16xf32>,
        %get3A_141 = arith.index_cast %scan3A_51 : i32 to index
        %get3A_142 = arith.constant 112 : index
        %get3A_143 = tpu.vector_load %arg14[%get3A_141, %get3A_142] {strides = array<i32>} : memref<256x128xf32, #tpu.memory_space<vmem>>, vector<16xf32>,
        %get3A_144 = arith.index_cast %scan3A_51 : i32 to index
        %get3A_145 = arith.constant 112 : index
        %get3A_146 = tpu.vector_load %arg15[%get3A_144, %get3A_145] {strides = array<i32>} : memref<256x128xf32, #tpu.memory_space<vmem>>, vector<16xf32>,
        %add3A_147 = arith.addf %get3A_143, %get3A_146 : vector<16xf32>
        %max3A_148 = arith.constant 0.000000e+00 : f32
        %max3A_149 = vector.broadcast %max3A_148 : f32 to vector<16xf32>
        %max3A_150 = arith.maximumf %add3A_147, %max3A_149 : vector<16xf32>
        %swap3A_151 = arith.index_cast %scan3A_51 : i32 to index
        %swap3A_152 = arith.constant 112 : index
        %swap3A_153 = tpu.vector_load %arg14[%swap3A_151, %swap3A_152] {strides = array<i32>} : memref<256x128xf32, #tpu.memory_space<vmem>>, vector<16xf32>,
        tpu.vector_store %arg14[%swap3A_151, %swap3A_152], %max3A_150 {strides = array<i32>} : memref<256x128xf32, #tpu.memory_space<vmem>>, vector<16xf32>,
      }
      %scan3A_44 = arith.constant 256 : i32
      %mul3A_45 = arith.constant 256 : i32
      %mul3A_46 = arith.muli %while3A_15, %mul3A_45 : i32
      %add3A_47 = arith.addi %scan3A_7, %mul3A_46 : i32
      %multiple_of3A_48 = tpu.assume_multiple %add3A_47, 8 : i32
      "tpu.region"() ({
        %run_scoped3A = tpu.sem_alloc : memref<!tpu.dma_semaphore, #tpu.memory_space<semaphore_mem>>
        %dma_start3A_51 = arith.constant 0 : i32
        %dma_start3A_52 = tpu.memref_slice %arg7[%multiple_of3A_48, %dma_start3A_51] : memref<344576x128xf32, #tpu.memory_space<hbm>> -> memref<256x128xf32, #tpu.memory_space<hbm>>
        %dma_start3A_53 = arith.constant 0 : i32
        %dma_start3A_54 = tpu.memref_slice %arg7[%multiple_of3A_48, %dma_start3A_53] : memref<344576x128xf32, #tpu.memory_space<hbm>> -> memref<256x128xf32, #tpu.memory_space<hbm>>
        tpu.enqueue_dma source(%arg14 : memref<256x128xf32, #tpu.memory_space<vmem>>) target(%dma_start3A_54 : memref<256x128xf32, #tpu.memory_space<hbm>>) target_semaphore(%run_scoped3A : memref<!tpu.dma_semaphore, #tpu.memory_space<semaphore_mem>>)
        %dma_wait3A_55 = arith.constant 0 : i32
        %dma_wait3A_56 = tpu.memref_slice %arg7[%multiple_of3A_48, %dma_wait3A_55] : memref<344576x128xf32, #tpu.memory_space<hbm>> -> memref<256x128xf32, #tpu.memory_space<hbm>>
        %dma_wait3A_57 = arith.constant 0 : i32
        %dma_wait3A_58 = tpu.memref_slice %arg7[%multiple_of3A_48, %dma_wait3A_57] : memref<344576x128xf32, #tpu.memory_space<hbm>> -> memref<256x128xf32, #tpu.memory_space<hbm>>
        tpu.wait_dma2 semaphore(%run_scoped3A : memref<!tpu.dma_semaphore, #tpu.memory_space<semaphore_mem>>) src(%arg14 : memref<256x128xf32, #tpu.memory_space<vmem>>) dst(%dma_wait3A_58 : memref<256x128xf32, #tpu.memory_space<hbm>>)
        tpu.yield
      }) : () -> ()
      "tpu.region"() ({
        %run_scoped3A = tpu.sem_alloc : memref<!tpu.dma_semaphore, #tpu.memory_space<semaphore_mem>>
        %dma_start3A_51 = tpu.memref_slice %arg8[%multiple_of3A_48] : memref<344576xi32, #tpu.memory_space<hbm>> -> memref<256xi32, #tpu.memory_space<hbm>>
        %dma_start3A_52 = tpu.memref_slice %arg8[%multiple_of3A_48] : memref<344576xi32, #tpu.memory_space<hbm>> -> memref<256xi32, #tpu.memory_space<hbm>>
        tpu.enqueue_dma source(%arg12 : memref<256xi32, #tpu.memory_space<vmem>>) target(%dma_start3A_52 : memref<256xi32, #tpu.memory_space<hbm>>) target_semaphore(%run_scoped3A : memref<!tpu.dma_semaphore, #tpu.memory_space<semaphore_mem>>)
        %dma_wait3A_53 = tpu.memref_slice %arg8[%multiple_of3A_48] : memref<344576xi32, #tpu.memory_space<hbm>> -> memref<256xi32, #tpu.memory_space<hbm>>
        %dma_wait3A_54 = tpu.memref_slice %arg8[%multiple_of3A_48] : memref<344576xi32, #tpu.memory_space<hbm>> -> memref<256xi32, #tpu.memory_space<hbm>>
        tpu.wait_dma2 semaphore(%run_scoped3A : memref<!tpu.dma_semaphore, #tpu.memory_space<semaphore_mem>>) src(%arg12 : memref<256xi32, #tpu.memory_space<vmem>>) dst(%dma_wait3A_54 : memref<256xi32, #tpu.memory_space<hbm>>)
        tpu.yield
      }) : () -> ()
      %add3A_49 = arith.constant 1 : i32
      %add3A_50 = arith.addi %while3A_15, %add3A_49 : i32
      scf.yield %add3A_50 : i32
    }
    return
  }
}

#map = affine_map<(d0, d1) -> (0)>
module attributes {stable_mosaic.version = 14 : i64} {
  func.func @_scan_partition(%arg0: i32, %arg1: i32, %arg2: memref<320000xi32, #tpu.memory_space<hbm>>, %arg3: memref<512xi32, #tpu.memory_space<hbm>>, %arg4: memref<10764288xi32, #tpu.memory_space<hbm>>, %arg5: memref<8000xi32, #tpu.memory_space<vmem>>, %arg6: memref<8192xi32, #tpu.memory_space<vmem>>, %arg7: memref<256xi32, #tpu.memory_space<vmem>>) attributes {dimension_semantics = [#tpu.dimension_semantics<core_parallel>, #tpu.dimension_semantics<subcore_parallel>], iteration_bounds = array<i64: 2, 16>, scalar_prefetch = 0 : i64, scratch_operands = 3 : i64, tpu.core_type = #tpu.core_type<sc_vector_subcore>, window_params = [{transform_indices = #map}, {transform_indices = #map}, {transform_indices = #map}]} {
    %mul3A = arith.constant 2 : i32
    %mul3A_0 = arith.muli %arg1, %mul3A : i32
    %add3A = arith.addi %mul3A_0, %arg0 : i32
    %mul3A_1 = arith.constant 320 : i32
    %mul3A_2 = arith.muli %add3A, %mul3A_1 : i32
    %mul3A_3 = arith.constant 336384 : i32
    %mul3A_4 = arith.muli %add3A, %mul3A_3 : i32
    %iota3A = tpu.iota {dimensions = array<i32: 0>} : vector<16xi32>
    %broadcast_in_dim3A = arith.constant 0 : i32
    %broadcast_in_dim3A_5 = vector.broadcast %broadcast_in_dim3A : i32 to vector<16xi32>
    %scan3A = arith.constant 0 : i32
    %scan3A_6 = arith.constant 0 : i32
    %scan3A_7 = arith.constant 0 : i32
    %scan3A_8 = arith.constant 40 : i32
    %scan3A_9 = arith.addi %scan3A_7, %scan3A_8 : i32
    %scan3A_10 = arith.constant 1 : i32
    %scan3A_11:2 = scf.for %scan3A_47 = %scan3A_7 to %scan3A_9 step %scan3A_10 iter_args(%scan3A_48 = %scan3A, %scan3A_49 = %scan3A_6) -> (i32, i32)  : i32 {
      %mul3A_50 = arith.constant 8000 : i32
      %mul3A_51 = arith.muli %scan3A_47, %mul3A_50 : i32
      "tpu.region"() ({
        %run_scoped3A = tpu.sem_alloc : memref<!tpu.dma_semaphore, #tpu.memory_space<semaphore_mem>>
        %dma_start3A = tpu.memref_slice %arg2[%mul3A_51] : memref<320000xi32, #tpu.memory_space<hbm>> -> memref<8000xi32, #tpu.memory_space<hbm>>
        %dma_start3A_99 = tpu.memref_slice %arg2[%mul3A_51] : memref<320000xi32, #tpu.memory_space<hbm>> -> memref<8000xi32, #tpu.memory_space<hbm>>
        tpu.enqueue_dma source(%dma_start3A_99 : memref<8000xi32, #tpu.memory_space<hbm>>) target(%arg5 : memref<8000xi32, #tpu.memory_space<vmem>>) target_semaphore(%run_scoped3A : memref<!tpu.dma_semaphore, #tpu.memory_space<semaphore_mem>>)
        %dma_wait3A = tpu.memref_slice %arg2[%mul3A_51] : memref<320000xi32, #tpu.memory_space<hbm>> -> memref<8000xi32, #tpu.memory_space<hbm>>
        %dma_wait3A_100 = tpu.memref_slice %arg2[%mul3A_51] : memref<320000xi32, #tpu.memory_space<hbm>> -> memref<8000xi32, #tpu.memory_space<hbm>>
        tpu.wait_dma2 semaphore(%run_scoped3A : memref<!tpu.dma_semaphore, #tpu.memory_space<semaphore_mem>>) src(%dma_wait3A_100 : memref<8000xi32, #tpu.memory_space<hbm>>) dst(%arg5 : memref<8000xi32, #tpu.memory_space<vmem>>)
        tpu.yield
      }) : () -> ()
      %scan3A_52 = arith.constant 0 : i32
      %scan3A_53 = arith.constant 0 : i32
      %scan3A_54 = arith.constant 500 : i32
      %scan3A_55 = arith.addi %scan3A_53, %scan3A_54 : i32
      %scan3A_56 = arith.constant 1 : i32
      %scan3A_57 = scf.for %scan3A_99 = %scan3A_53 to %scan3A_55 step %scan3A_56 iter_args(%scan3A_100 = %scan3A_52) -> (i32)  : i32 {
        %mul3A_101 = arith.constant 16 : i32
        %mul3A_102 = arith.muli %scan3A_99, %mul3A_101 : i32
        %get3A_103 = arith.index_cast %mul3A_102 : i32 to index
        %get3A_104 = tpu.vector_load %arg5[%get3A_103] {strides = array<i32>} : memref<8000xi32, #tpu.memory_space<vmem>>, vector<16xi32>,
        %ge3A = vector.broadcast %mul3A_2 : i32 to vector<16xi32>
        %ge3A_105 = arith.cmpi sge, %get3A_104, %ge3A : vector<16xi32>
        %add3A_106 = arith.constant 320 : i32
        %add3A_107 = arith.addi %mul3A_2, %add3A_106 : i32
        %lt3A = vector.broadcast %add3A_107 : i32 to vector<16xi32>
        %lt3A_108 = arith.cmpi slt, %get3A_104, %lt3A : vector<16xi32>
        %and3A_109 = arith.andi %ge3A_105, %lt3A_108 : vector<16xi1>
        %mul3A_110 = arith.constant 8000 : i32
        %mul3A_111 = arith.muli %scan3A_47, %mul3A_110 : i32
        %mul3A_112 = arith.constant 16 : i32
        %mul3A_113 = arith.muli %scan3A_99, %mul3A_112 : i32
        %add3A_114 = arith.addi %mul3A_111, %mul3A_113 : i32
        %add3A_115 = vector.broadcast %add3A_114 : i32 to vector<16xi32>
        %add3A_116 = arith.addi %add3A_115, %iota3A : vector<16xi32>
        %mul3A_117 = arith.constant 512 : i32
        %mul3A_118 = vector.broadcast %mul3A_117 : i32 to vector<16xi32>
        %mul3A_119 = arith.muli %add3A_116, %mul3A_118 : vector<16xi32>
        %sub3A_120 = vector.broadcast %mul3A_2 : i32 to vector<16xi32>
        %sub3A_121 = arith.subi %get3A_104, %sub3A_120 : vector<16xi32>
        %add3A_122 = arith.addi %mul3A_119, %sub3A_121 : vector<16xi32>
        %swap3A_123 = arith.index_cast %scan3A_100 : i32 to index
        %swap3A_124 = tpu.vector_load %arg6[%swap3A_123] masked %and3A_109 {strides = array<i32>} : memref<8192xi32, #tpu.memory_space<vmem>>, vector<16xi32>, vector<16xi1>
        tpu.vector_store %arg6[%swap3A_123], %add3A_122 masked %and3A_109 {strides = array<i32>} : memref<8192xi32, #tpu.memory_space<vmem>>, vector<16xi32>, vector<16xi1>
        %all_reduce_population_count3A = tpu.all_reduce %and3A_109 {dim = 0 : i64, kind = #tpu.reduction_kind<sum>} : vector<16xi1> -> vector<16xi32>
        %slice3A_125 = vector.extract_strided_slice %all_reduce_population_count3A {offsets = [0], sizes = [1], strides = [1]} : vector<16xi32> to vector<1xi32>
        %squeeze3A_126 = vector.extract %slice3A_125[0] : i32 from vector<1xi32>
        %add3A_127 = arith.addi %scan3A_100, %squeeze3A_126 : i32
        scf.yield %add3A_127 : i32
      }
      %scan3A_58 = arith.constant 500 : i32
      %get3A = arith.constant 0 : index
      %get3A_59 = tpu.vector_load %arg6[%get3A] {strides = array<i32>} : memref<8192xi32, #tpu.memory_space<vmem>>, vector<16xi32>,
      %slice3A = vector.extract_strided_slice %get3A_59 {offsets = [0], sizes = [1], strides = [1]} : vector<16xi32> to vector<1xi32>
      %squeeze3A = vector.extract %slice3A[0] : i32 from vector<1xi32>
      %add3A_60 = vector.broadcast %squeeze3A : i32 to vector<16xi32>
      %add3A_61 = arith.addi %broadcast_in_dim3A_5, %add3A_60 : vector<16xi32>
      %broadcast_in_dim3A_62 = arith.constant true
      %broadcast_in_dim3A_63 = vector.broadcast %broadcast_in_dim3A_62 : i1 to vector<16xi1>
      %swap3A_64 = arith.index_cast %scan3A_57 : i32 to index
      %swap3A_65 = tpu.vector_load %arg6[%swap3A_64] masked %broadcast_in_dim3A_63 {strides = array<i32>} : memref<8192xi32, #tpu.memory_space<vmem>>, vector<16xi32>, vector<16xi1>
      tpu.vector_store %arg6[%swap3A_64], %add3A_61 masked %broadcast_in_dim3A_63 {strides = array<i32>} : memref<8192xi32, #tpu.memory_space<vmem>>, vector<16xi32>, vector<16xi1>
      %add3A_66 = arith.constant 7 : i32
      %add3A_67 = arith.addi %scan3A_57, %add3A_66 : i32
      %jit3A_68 = arith.constant 8 : i32
      %div3A_69 = arith.divsi %add3A_67, %jit3A_68 : i32
      %sign3A_70 = arith.constant 0 : i32
      %sign3A_71 = arith.cmpi sgt, %add3A_67, %sign3A_70 : i32
      %sign3A_72 = arith.extui %sign3A_71 : i1 to i32
      %sign3A_73 = arith.constant 0 : i32
      %sign3A_74 = arith.cmpi slt, %add3A_67, %sign3A_73 : i32
      %sign3A_75 = arith.extui %sign3A_74 : i1 to i32
      %sign3A_76 = arith.subi %sign3A_72, %sign3A_75 : i32
      %sign3A_77 = arith.constant 0 : i32
      %sign3A_78 = arith.cmpi sgt, %jit3A_68, %sign3A_77 : i32
      %sign3A_79 = arith.extui %sign3A_78 : i1 to i32
      %sign3A_80 = arith.constant 0 : i32
      %sign3A_81 = arith.cmpi slt, %jit3A_68, %sign3A_80 : i32
      %sign3A_82 = arith.extui %sign3A_81 : i1 to i32
      %sign3A_83 = arith.subi %sign3A_79, %sign3A_82 : i32
      %ne3A_84 = arith.cmpi ne, %sign3A_76, %sign3A_83 : i32
      %rem3A_85 = arith.remsi %add3A_67, %jit3A_68 : i32
      %ne3A_86 = arith.constant 0 : i32
      %ne3A_87 = arith.cmpi ne, %rem3A_85, %ne3A_86 : i32
      %and3A_88 = arith.andi %ne3A_84, %ne3A_87 : i1
      %sub3A_89 = arith.constant 1 : i32
      %sub3A_90 = arith.subi %div3A_69, %sub3A_89 : i32
      %select_n3A_91 = arith.select %and3A_88, %sub3A_90, %div3A_69 : i32
      %mul3A_92 = arith.constant 8 : i32
      %mul3A_93 = arith.muli %select_n3A_91, %mul3A_92 : i32
      %add3A_94 = arith.addi %mul3A_4, %scan3A_48 : i32
      %multiple_of3A_95 = tpu.assume_multiple %add3A_94, 8 : i32
      "tpu.region"() ({
        %run_scoped3A = tpu.sem_alloc : memref<!tpu.dma_semaphore, #tpu.memory_space<semaphore_mem>>
        %dma_start3A = tpu.memref_slice %arg4[%multiple_of3A_95] : memref<10764288xi32, #tpu.memory_space<hbm>> -> memref<8192xi32, #tpu.memory_space<hbm>>
        %dma_start3A_99 = tpu.memref_slice %arg4[%multiple_of3A_95] : memref<10764288xi32, #tpu.memory_space<hbm>> -> memref<8192xi32, #tpu.memory_space<hbm>>
        tpu.enqueue_dma source(%arg6 : memref<8192xi32, #tpu.memory_space<vmem>>) target(%dma_start3A_99 : memref<8192xi32, #tpu.memory_space<hbm>>) target_semaphore(%run_scoped3A : memref<!tpu.dma_semaphore, #tpu.memory_space<semaphore_mem>>)
        %dma_wait3A = tpu.memref_slice %arg4[%multiple_of3A_95] : memref<10764288xi32, #tpu.memory_space<hbm>> -> memref<8192xi32, #tpu.memory_space<hbm>>
        %dma_wait3A_100 = tpu.memref_slice %arg4[%multiple_of3A_95] : memref<10764288xi32, #tpu.memory_space<hbm>> -> memref<8192xi32, #tpu.memory_space<hbm>>
        tpu.wait_dma2 semaphore(%run_scoped3A : memref<!tpu.dma_semaphore, #tpu.memory_space<semaphore_mem>>) src(%arg6 : memref<8192xi32, #tpu.memory_space<vmem>>) dst(%dma_wait3A_100 : memref<8192xi32, #tpu.memory_space<hbm>>)
        tpu.yield
      }) : () -> ()
      %gt3A = arith.constant 0 : i32
      %gt3A_96 = arith.cmpi sgt, %scan3A_57, %gt3A : i32
      %select_n3A_97 = arith.select %gt3A_96, %squeeze3A, %scan3A_49 : i32
      %add3A_98 = arith.addi %scan3A_48, %mul3A_93 : i32
      scf.yield %add3A_98, %select_n3A_97 : i32, i32
    }
    %scan3A_12 = arith.constant 40 : i32
    %scan3A_13 = arith.constant 0 : i32
    %scan3A_14 = arith.constant 0 : i32
    %scan3A_15 = arith.constant 16 : i32
    %scan3A_16 = arith.addi %scan3A_14, %scan3A_15 : i32
    %scan3A_17 = arith.constant 1 : i32
    scf.for %scan3A_47 = %scan3A_14 to %scan3A_16 step %scan3A_17  : i32 {
      %add3A_48 = vector.broadcast %scan3A_11#1 : i32 to vector<16xi32>
      %add3A_49 = arith.addi %broadcast_in_dim3A_5, %add3A_48 : vector<16xi32>
      %mul3A_50 = arith.constant 16 : i32
      %mul3A_51 = arith.muli %scan3A_47, %mul3A_50 : i32
      %swap3A_52 = arith.index_cast %mul3A_51 : i32 to index
      %swap3A_53 = tpu.vector_load %arg7[%swap3A_52] {strides = array<i32>} : memref<256xi32, #tpu.memory_space<vmem>>, vector<16xi32>,
      tpu.vector_store %arg7[%swap3A_52], %add3A_49 {strides = array<i32>} : memref<256xi32, #tpu.memory_space<vmem>>, vector<16xi32>,
    }
    %scan3A_18 = arith.constant 16 : i32
    %add3A_19 = arith.addi %mul3A_4, %scan3A_11#0 : i32
    %multiple_of3A = tpu.assume_multiple %add3A_19, 8 : i32
    "tpu.region"() ({
      %run_scoped3A = tpu.sem_alloc : memref<!tpu.dma_semaphore, #tpu.memory_space<semaphore_mem>>
      %dma_start3A = tpu.memref_slice %arg4[%multiple_of3A] : memref<10764288xi32, #tpu.memory_space<hbm>> -> memref<256xi32, #tpu.memory_space<hbm>>
      %dma_start3A_47 = tpu.memref_slice %arg4[%multiple_of3A] : memref<10764288xi32, #tpu.memory_space<hbm>> -> memref<256xi32, #tpu.memory_space<hbm>>
      tpu.enqueue_dma source(%arg7 : memref<256xi32, #tpu.memory_space<vmem>>) target(%dma_start3A_47 : memref<256xi32, #tpu.memory_space<hbm>>) target_semaphore(%run_scoped3A : memref<!tpu.dma_semaphore, #tpu.memory_space<semaphore_mem>>)
      %dma_wait3A = tpu.memref_slice %arg4[%multiple_of3A] : memref<10764288xi32, #tpu.memory_space<hbm>> -> memref<256xi32, #tpu.memory_space<hbm>>
      %dma_wait3A_48 = tpu.memref_slice %arg4[%multiple_of3A] : memref<10764288xi32, #tpu.memory_space<hbm>> -> memref<256xi32, #tpu.memory_space<hbm>>
      tpu.wait_dma2 semaphore(%run_scoped3A : memref<!tpu.dma_semaphore, #tpu.memory_space<semaphore_mem>>) src(%arg7 : memref<256xi32, #tpu.memory_space<vmem>>) dst(%dma_wait3A_48 : memref<256xi32, #tpu.memory_space<hbm>>)
      tpu.yield
    }) : () -> ()
    %add3A_20 = arith.constant 256 : i32
    %add3A_21 = arith.addi %scan3A_11#0, %add3A_20 : i32
    %sub3A = arith.constant 1 : i32
    %sub3A_22 = arith.subi %add3A_21, %sub3A : i32
    %jit3A = arith.constant 256 : i32
    %div3A = arith.divsi %sub3A_22, %jit3A : i32
    %sign3A = arith.constant 0 : i32
    %sign3A_23 = arith.cmpi sgt, %sub3A_22, %sign3A : i32
    %sign3A_24 = arith.extui %sign3A_23 : i1 to i32
    %sign3A_25 = arith.constant 0 : i32
    %sign3A_26 = arith.cmpi slt, %sub3A_22, %sign3A_25 : i32
    %sign3A_27 = arith.extui %sign3A_26 : i1 to i32
    %sign3A_28 = arith.subi %sign3A_24, %sign3A_27 : i32
    %sign3A_29 = arith.constant 0 : i32
    %sign3A_30 = arith.cmpi sgt, %jit3A, %sign3A_29 : i32
    %sign3A_31 = arith.extui %sign3A_30 : i1 to i32
    %sign3A_32 = arith.constant 0 : i32
    %sign3A_33 = arith.cmpi slt, %jit3A, %sign3A_32 : i32
    %sign3A_34 = arith.extui %sign3A_33 : i1 to i32
    %sign3A_35 = arith.subi %sign3A_31, %sign3A_34 : i32
    %ne3A = arith.cmpi ne, %sign3A_28, %sign3A_35 : i32
    %rem3A = arith.remsi %sub3A_22, %jit3A : i32
    %ne3A_36 = arith.constant 0 : i32
    %ne3A_37 = arith.cmpi ne, %rem3A, %ne3A_36 : i32
    %and3A = arith.andi %ne3A, %ne3A_37 : i1
    %sub3A_38 = arith.constant 1 : i32
    %sub3A_39 = arith.subi %div3A, %sub3A_38 : i32
    %select_n3A = arith.select %and3A, %sub3A_39, %div3A : i32
    %mul3A_40 = arith.constant 256 : i32
    %mul3A_41 = arith.muli %select_n3A, %mul3A_40 : i32
    %add3A_42 = vector.broadcast %mul3A_41 : i32 to vector<16xi32>
    %add3A_43 = arith.addi %broadcast_in_dim3A_5, %add3A_42 : vector<16xi32>
    %swap3A = arith.constant 0 : index
    %swap3A_44 = tpu.vector_load %arg7[%swap3A] {strides = array<i32>} : memref<256xi32, #tpu.memory_space<vmem>>, vector<16xi32>,
    tpu.vector_store %arg7[%swap3A], %add3A_43 {strides = array<i32>} : memref<256xi32, #tpu.memory_space<vmem>>, vector<16xi32>,
    %mul3A_45 = arith.constant 16 : i32
    %mul3A_46 = arith.muli %add3A, %mul3A_45 : i32
    "tpu.region"() ({
      %run_scoped3A = tpu.sem_alloc : memref<!tpu.dma_semaphore, #tpu.memory_space<semaphore_mem>>
      %dma_start3A = arith.constant 0 : i32
      %dma_start3A_47 = tpu.memref_slice %arg7[%dma_start3A] : memref<256xi32, #tpu.memory_space<vmem>> -> memref<16xi32, #tpu.memory_space<vmem>>
      %dma_start3A_48 = tpu.memref_slice %arg3[%mul3A_46] : memref<512xi32, #tpu.memory_space<hbm>> -> memref<16xi32, #tpu.memory_space<hbm>>
      %dma_start3A_49 = tpu.memref_slice %arg3[%mul3A_46] : memref<512xi32, #tpu.memory_space<hbm>> -> memref<16xi32, #tpu.memory_space<hbm>>
      %dma_start3A_50 = arith.constant 0 : i32
      %dma_start3A_51 = tpu.memref_slice %arg7[%dma_start3A_50] : memref<256xi32, #tpu.memory_space<vmem>> -> memref<16xi32, #tpu.memory_space<vmem>>
      tpu.enqueue_dma source(%dma_start3A_51 : memref<16xi32, #tpu.memory_space<vmem>>) target(%dma_start3A_49 : memref<16xi32, #tpu.memory_space<hbm>>) target_semaphore(%run_scoped3A : memref<!tpu.dma_semaphore, #tpu.memory_space<semaphore_mem>>)
      %dma_wait3A = arith.constant 0 : i32
      %dma_wait3A_52 = tpu.memref_slice %arg7[%dma_wait3A] : memref<256xi32, #tpu.memory_space<vmem>> -> memref<16xi32, #tpu.memory_space<vmem>>
      %dma_wait3A_53 = tpu.memref_slice %arg3[%mul3A_46] : memref<512xi32, #tpu.memory_space<hbm>> -> memref<16xi32, #tpu.memory_space<hbm>>
      %dma_wait3A_54 = tpu.memref_slice %arg3[%mul3A_46] : memref<512xi32, #tpu.memory_space<hbm>> -> memref<16xi32, #tpu.memory_space<hbm>>
      %dma_wait3A_55 = arith.constant 0 : i32
      %dma_wait3A_56 = tpu.memref_slice %arg7[%dma_wait3A_55] : memref<256xi32, #tpu.memory_space<vmem>> -> memref<16xi32, #tpu.memory_space<vmem>>
      tpu.wait_dma2 semaphore(%run_scoped3A : memref<!tpu.dma_semaphore, #tpu.memory_space<semaphore_mem>>) src(%dma_wait3A_56 : memref<16xi32, #tpu.memory_space<vmem>>) dst(%dma_wait3A_54 : memref<16xi32, #tpu.memory_space<hbm>>)
      tpu.yield
    }) : () -> ()
    return
  }
}

#map = affine_map<(d0, d1) -> (0)>
#map1 = affine_map<(d0, d1) -> (0, 0)>
module attributes {stable_mosaic.version = 14 : i64} {
  func.func @_segment_max(%arg0: i32, %arg1: i32, %arg2: memref<512xi32, #tpu.memory_space<hbm>>, %arg3: memref<344576xi32, #tpu.memory_space<hbm>>, %arg4: memref<344576x128xf32, #tpu.memory_space<hbm>>, %arg5: memref<10240x128xf32, #tpu.memory_space<hbm>>, %arg6: memref<320x128xf32, #tpu.memory_space<vmem>>, %arg7: memref<528xi32, #tpu.memory_space<vmem>>, %arg8: memref<272xi32, #tpu.memory_space<vmem>>, %arg9: memref<256x128xf32, #tpu.memory_space<vmem>>) attributes {dimension_semantics = [#tpu.dimension_semantics<core_parallel>, #tpu.dimension_semantics<subcore_parallel>], iteration_bounds = array<i64: 2, 16>, scalar_prefetch = 0 : i64, scratch_operands = 4 : i64, tpu.core_type = #tpu.core_type<sc_vector_subcore>, window_params = [{transform_indices = #map}, {transform_indices = #map}, {transform_indices = #map1}, {transform_indices = #map1}]} {
    %mul3A = arith.constant 2 : i32
    %mul3A_0 = arith.muli %arg1, %mul3A : i32
    %add3A = arith.addi %mul3A_0, %arg0 : i32
    %mul3A_1 = arith.constant 320 : i32
    %mul3A_2 = arith.muli %add3A, %mul3A_1 : i32
    %broadcast_in_dim3A = arith.constant 0xFF800000 : f32
    %broadcast_in_dim3A_3 = vector.broadcast %broadcast_in_dim3A : f32 to vector<16xf32>
    "tpu.region"() ({
      %run_scoped3A = tpu.sem_alloc : memref<!tpu.dma_semaphore, #tpu.memory_space<semaphore_mem>>
      %dma_start3A = arith.constant 0 : i32
      %dma_start3A_26 = tpu.memref_slice %arg7[%dma_start3A] : memref<528xi32, #tpu.memory_space<vmem>> -> memref<512xi32, #tpu.memory_space<vmem>>
      %dma_start3A_27 = arith.constant 0 : i32
      %dma_start3A_28 = tpu.memref_slice %arg7[%dma_start3A_27] : memref<528xi32, #tpu.memory_space<vmem>> -> memref<512xi32, #tpu.memory_space<vmem>>
      tpu.enqueue_dma source(%arg2 : memref<512xi32, #tpu.memory_space<hbm>>) target(%dma_start3A_28 : memref<512xi32, #tpu.memory_space<vmem>>) target_semaphore(%run_scoped3A : memref<!tpu.dma_semaphore, #tpu.memory_space<semaphore_mem>>)
      %dma_wait3A = arith.constant 0 : i32
      %dma_wait3A_29 = tpu.memref_slice %arg7[%dma_wait3A] : memref<528xi32, #tpu.memory_space<vmem>> -> memref<512xi32, #tpu.memory_space<vmem>>
      %dma_wait3A_30 = arith.constant 0 : i32
      %dma_wait3A_31 = tpu.memref_slice %arg7[%dma_wait3A_30] : memref<528xi32, #tpu.memory_space<vmem>> -> memref<512xi32, #tpu.memory_space<vmem>>
      tpu.wait_dma2 semaphore(%run_scoped3A : memref<!tpu.dma_semaphore, #tpu.memory_space<semaphore_mem>>) src(%arg2 : memref<512xi32, #tpu.memory_space<hbm>>) dst(%dma_wait3A_31 : memref<512xi32, #tpu.memory_space<vmem>>)
      tpu.yield
    }) : () -> ()
    %scan3A = arith.constant 0 : i32
    %scan3A_4 = arith.constant 0 : i32
    %scan3A_5 = arith.constant 32 : i32
    %scan3A_6 = arith.addi %scan3A_4, %scan3A_5 : i32
    %scan3A_7 = arith.constant 1 : i32
    %scan3A_8 = scf.for %scan3A_26 = %scan3A_4 to %scan3A_6 step %scan3A_7 iter_args(%scan3A_27 = %scan3A) -> (i32)  : i32 {
      %mul3A_28 = arith.constant 16 : i32
      %mul3A_29 = arith.muli %scan3A_26, %mul3A_28 : i32
      %get3A_30 = arith.index_cast %mul3A_29 : i32 to index
      %get3A_31 = tpu.vector_load %arg7[%get3A_30] {strides = array<i32>} : memref<528xi32, #tpu.memory_space<vmem>>, vector<16xi32>,
      %slice3A_32 = vector.extract_strided_slice %get3A_31 {offsets = [0], sizes = [1], strides = [1]} : vector<16xi32> to vector<1xi32>
      %squeeze3A_33 = vector.extract %slice3A_32[0] : i32 from vector<1xi32>
      %lt3A = arith.cmpi slt, %scan3A_26, %add3A : i32
      %jit3A = arith.constant 0 : i32
      %select_n3A = arith.select %lt3A, %squeeze3A_33, %jit3A : i32
      %add3A_34 = arith.addi %scan3A_27, %select_n3A : i32
      scf.yield %add3A_34 : i32
    }
    %scan3A_9 = arith.constant 32 : i32
    %mul3A_10 = arith.constant 16 : i32
    %mul3A_11 = arith.muli %add3A, %mul3A_10 : i32
    %get3A = arith.index_cast %mul3A_11 : i32 to index
    %get3A_12 = tpu.vector_load %arg7[%get3A] {strides = array<i32>} : memref<528xi32, #tpu.memory_space<vmem>>, vector<16xi32>,
    %slice3A = vector.extract_strided_slice %get3A_12 {offsets = [0], sizes = [1], strides = [1]} : vector<16xi32> to vector<1xi32>
    %squeeze3A = vector.extract %slice3A[0] : i32 from vector<1xi32>
    %scan3A_13 = arith.constant 0 : i32
    %scan3A_14 = arith.constant 0 : i32
    %scan3A_15 = arith.constant 320 : i32
    %scan3A_16 = arith.addi %scan3A_14, %scan3A_15 : i32
    %scan3A_17 = arith.constant 1 : i32
    scf.for %scan3A_26 = %scan3A_14 to %scan3A_16 step %scan3A_17  : i32 {
      %swap3A = arith.index_cast %scan3A_26 : i32 to index
      %swap3A_27 = arith.constant 0 : index
      %swap3A_28 = tpu.vector_load %arg6[%swap3A, %swap3A_27] {strides = array<i32>} : memref<320x128xf32, #tpu.memory_space<vmem>>, vector<16xf32>,
      tpu.vector_store %arg6[%swap3A, %swap3A_27], %broadcast_in_dim3A_3 {strides = array<i32>} : memref<320x128xf32, #tpu.memory_space<vmem>>, vector<16xf32>,
      %swap3A_29 = arith.index_cast %scan3A_26 : i32 to index
      %swap3A_30 = arith.constant 16 : index
      %swap3A_31 = tpu.vector_load %arg6[%swap3A_29, %swap3A_30] {strides = array<i32>} : memref<320x128xf32, #tpu.memory_space<vmem>>, vector<16xf32>,
      tpu.vector_store %arg6[%swap3A_29, %swap3A_30], %broadcast_in_dim3A_3 {strides = array<i32>} : memref<320x128xf32, #tpu.memory_space<vmem>>, vector<16xf32>,
      %swap3A_32 = arith.index_cast %scan3A_26 : i32 to index
      %swap3A_33 = arith.constant 32 : index
      %swap3A_34 = tpu.vector_load %arg6[%swap3A_32, %swap3A_33] {strides = array<i32>} : memref<320x128xf32, #tpu.memory_space<vmem>>, vector<16xf32>,
      tpu.vector_store %arg6[%swap3A_32, %swap3A_33], %broadcast_in_dim3A_3 {strides = array<i32>} : memref<320x128xf32, #tpu.memory_space<vmem>>, vector<16xf32>,
      %swap3A_35 = arith.index_cast %scan3A_26 : i32 to index
      %swap3A_36 = arith.constant 48 : index
      %swap3A_37 = tpu.vector_load %arg6[%swap3A_35, %swap3A_36] {strides = array<i32>} : memref<320x128xf32, #tpu.memory_space<vmem>>, vector<16xf32>,
      tpu.vector_store %arg6[%swap3A_35, %swap3A_36], %broadcast_in_dim3A_3 {strides = array<i32>} : memref<320x128xf32, #tpu.memory_space<vmem>>, vector<16xf32>,
      %swap3A_38 = arith.index_cast %scan3A_26 : i32 to index
      %swap3A_39 = arith.constant 64 : index
      %swap3A_40 = tpu.vector_load %arg6[%swap3A_38, %swap3A_39] {strides = array<i32>} : memref<320x128xf32, #tpu.memory_space<vmem>>, vector<16xf32>,
      tpu.vector_store %arg6[%swap3A_38, %swap3A_39], %broadcast_in_dim3A_3 {strides = array<i32>} : memref<320x128xf32, #tpu.memory_space<vmem>>, vector<16xf32>,
      %swap3A_41 = arith.index_cast %scan3A_26 : i32 to index
      %swap3A_42 = arith.constant 80 : index
      %swap3A_43 = tpu.vector_load %arg6[%swap3A_41, %swap3A_42] {strides = array<i32>} : memref<320x128xf32, #tpu.memory_space<vmem>>, vector<16xf32>,
      tpu.vector_store %arg6[%swap3A_41, %swap3A_42], %broadcast_in_dim3A_3 {strides = array<i32>} : memref<320x128xf32, #tpu.memory_space<vmem>>, vector<16xf32>,
      %swap3A_44 = arith.index_cast %scan3A_26 : i32 to index
      %swap3A_45 = arith.constant 96 : index
      %swap3A_46 = tpu.vector_load %arg6[%swap3A_44, %swap3A_45] {strides = array<i32>} : memref<320x128xf32, #tpu.memory_space<vmem>>, vector<16xf32>,
      tpu.vector_store %arg6[%swap3A_44, %swap3A_45], %broadcast_in_dim3A_3 {strides = array<i32>} : memref<320x128xf32, #tpu.memory_space<vmem>>, vector<16xf32>,
      %swap3A_47 = arith.index_cast %scan3A_26 : i32 to index
      %swap3A_48 = arith.constant 112 : index
      %swap3A_49 = tpu.vector_load %arg6[%swap3A_47, %swap3A_48] {strides = array<i32>} : memref<320x128xf32, #tpu.memory_space<vmem>>, vector<16xf32>,
      tpu.vector_store %arg6[%swap3A_47, %swap3A_48], %broadcast_in_dim3A_3 {strides = array<i32>} : memref<320x128xf32, #tpu.memory_space<vmem>>, vector<16xf32>,
    }
    %scan3A_18 = arith.constant 320 : i32
    %while3A = arith.constant 0 : i32
    %while3A_19 = scf.while (%while3A_26 = %while3A) : (i32) -> i32 {
      %mul3A_27 = arith.constant 256 : i32
      %mul3A_28 = arith.muli %while3A_26, %mul3A_27 : i32
      %lt3A = arith.cmpi slt, %mul3A_28, %squeeze3A : i32
      scf.condition(%lt3A) %while3A_26 : i32
    } do {
    ^bb0(%while3A_26: i32):
      %mul3A_27 = arith.constant 256 : i32
      %mul3A_28 = arith.muli %while3A_26, %mul3A_27 : i32
      %add3A_29 = arith.addi %scan3A_8, %mul3A_28 : i32
      %multiple_of3A = tpu.assume_multiple %add3A_29, 8 : i32
      "tpu.region"() ({
        %run_scoped3A = tpu.sem_alloc : memref<!tpu.dma_semaphore, #tpu.memory_space<semaphore_mem>>
        %dma_start3A = arith.constant 0 : i32
        %dma_start3A_38 = tpu.memref_slice %arg4[%multiple_of3A, %dma_start3A] : memref<344576x128xf32, #tpu.memory_space<hbm>> -> memref<256x128xf32, #tpu.memory_space<hbm>>
        %dma_start3A_39 = arith.constant 0 : i32
        %dma_start3A_40 = tpu.memref_slice %arg4[%multiple_of3A, %dma_start3A_39] : memref<344576x128xf32, #tpu.memory_space<hbm>> -> memref<256x128xf32, #tpu.memory_space<hbm>>
        tpu.enqueue_dma source(%dma_start3A_40 : memref<256x128xf32, #tpu.memory_space<hbm>>) target(%arg9 : memref<256x128xf32, #tpu.memory_space<vmem>>) target_semaphore(%run_scoped3A : memref<!tpu.dma_semaphore, #tpu.memory_space<semaphore_mem>>)
        %dma_wait3A = arith.constant 0 : i32
        %dma_wait3A_41 = tpu.memref_slice %arg4[%multiple_of3A, %dma_wait3A] : memref<344576x128xf32, #tpu.memory_space<hbm>> -> memref<256x128xf32, #tpu.memory_space<hbm>>
        %dma_wait3A_42 = arith.constant 0 : i32
        %dma_wait3A_43 = tpu.memref_slice %arg4[%multiple_of3A, %dma_wait3A_42] : memref<344576x128xf32, #tpu.memory_space<hbm>> -> memref<256x128xf32, #tpu.memory_space<hbm>>
        tpu.wait_dma2 semaphore(%run_scoped3A : memref<!tpu.dma_semaphore, #tpu.memory_space<semaphore_mem>>) src(%dma_wait3A_43 : memref<256x128xf32, #tpu.memory_space<hbm>>) dst(%arg9 : memref<256x128xf32, #tpu.memory_space<vmem>>)
        tpu.yield
      }) : () -> ()
      "tpu.region"() ({
        %run_scoped3A = tpu.sem_alloc : memref<!tpu.dma_semaphore, #tpu.memory_space<semaphore_mem>>
        %dma_start3A = arith.constant 0 : i32
        %dma_start3A_38 = tpu.memref_slice %arg8[%dma_start3A] : memref<272xi32, #tpu.memory_space<vmem>> -> memref<256xi32, #tpu.memory_space<vmem>>
        %dma_start3A_39 = tpu.memref_slice %arg3[%multiple_of3A] : memref<344576xi32, #tpu.memory_space<hbm>> -> memref<256xi32, #tpu.memory_space<hbm>>
        %dma_start3A_40 = arith.constant 0 : i32
        %dma_start3A_41 = tpu.memref_slice %arg8[%dma_start3A_40] : memref<272xi32, #tpu.memory_space<vmem>> -> memref<256xi32, #tpu.memory_space<vmem>>
        %dma_start3A_42 = tpu.memref_slice %arg3[%multiple_of3A] : memref<344576xi32, #tpu.memory_space<hbm>> -> memref<256xi32, #tpu.memory_space<hbm>>
        tpu.enqueue_dma source(%dma_start3A_42 : memref<256xi32, #tpu.memory_space<hbm>>) target(%dma_start3A_41 : memref<256xi32, #tpu.memory_space<vmem>>) target_semaphore(%run_scoped3A : memref<!tpu.dma_semaphore, #tpu.memory_space<semaphore_mem>>)
        %dma_wait3A = arith.constant 0 : i32
        %dma_wait3A_43 = tpu.memref_slice %arg8[%dma_wait3A] : memref<272xi32, #tpu.memory_space<vmem>> -> memref<256xi32, #tpu.memory_space<vmem>>
        %dma_wait3A_44 = tpu.memref_slice %arg3[%multiple_of3A] : memref<344576xi32, #tpu.memory_space<hbm>> -> memref<256xi32, #tpu.memory_space<hbm>>
        %dma_wait3A_45 = arith.constant 0 : i32
        %dma_wait3A_46 = tpu.memref_slice %arg8[%dma_wait3A_45] : memref<272xi32, #tpu.memory_space<vmem>> -> memref<256xi32, #tpu.memory_space<vmem>>
        %dma_wait3A_47 = tpu.memref_slice %arg3[%multiple_of3A] : memref<344576xi32, #tpu.memory_space<hbm>> -> memref<256xi32, #tpu.memory_space<hbm>>
        tpu.wait_dma2 semaphore(%run_scoped3A : memref<!tpu.dma_semaphore, #tpu.memory_space<semaphore_mem>>) src(%dma_wait3A_47 : memref<256xi32, #tpu.memory_space<hbm>>) dst(%dma_wait3A_46 : memref<256xi32, #tpu.memory_space<vmem>>)
        tpu.yield
      }) : () -> ()
      %scan3A_30 = arith.constant 0 : i32
      %scan3A_31 = arith.constant 0 : i32
      %scan3A_32 = arith.constant 256 : i32
      %scan3A_33 = arith.addi %scan3A_31, %scan3A_32 : i32
      %scan3A_34 = arith.constant 1 : i32
      scf.for %scan3A_38 = %scan3A_31 to %scan3A_33 step %scan3A_34  : i32 {
        %get3A_39 = arith.index_cast %scan3A_38 : i32 to index
        %get3A_40 = tpu.vector_load %arg8[%get3A_39] {strides = array<i32>} : memref<272xi32, #tpu.memory_space<vmem>>, vector<16xi32>,
        %slice3A_41 = vector.extract_strided_slice %get3A_40 {offsets = [0], sizes = [1], strides = [1]} : vector<16xi32> to vector<1xi32>
        %squeeze3A_42 = vector.extract %slice3A_41[0] : i32 from vector<1xi32>
        %sub3A = arith.subi %squeeze3A_42, %mul3A_2 : i32
        %ge3A = arith.constant 0 : i32
        %ge3A_43 = arith.cmpi sge, %sub3A, %ge3A : i32
        %lt3A = arith.constant 320 : i32
        %lt3A_44 = arith.cmpi slt, %sub3A, %lt3A : i32
        %and3A = arith.andi %ge3A_43, %lt3A_44 : i1
        %convert_element_type3A = arith.extui %and3A : i1 to i32
        %cond3A = arith.constant 0 : i32
        %cond3A_45 = arith.cmpi ne, %convert_element_type3A, %cond3A : i32
        scf.if %cond3A_45 {
          %get3A_46 = arith.index_cast %sub3A : i32 to index
          %get3A_47 = arith.constant 0 : index
          %get3A_48 = tpu.vector_load %arg6[%get3A_46, %get3A_47] {strides = array<i32>} : memref<320x128xf32, #tpu.memory_space<vmem>>, vector<16xf32>,
          %get3A_49 = arith.index_cast %scan3A_38 : i32 to index
          %get3A_50 = arith.constant 0 : index
          %get3A_51 = tpu.vector_load %arg9[%get3A_49, %get3A_50] {strides = array<i32>} : memref<256x128xf32, #tpu.memory_space<vmem>>, vector<16xf32>,
          %max3A = arith.maximumf %get3A_48, %get3A_51 : vector<16xf32>
          %swap3A = arith.index_cast %sub3A : i32 to index
          %swap3A_52 = arith.constant 0 : index
          %swap3A_53 = tpu.vector_load %arg6[%swap3A, %swap3A_52] {strides = array<i32>} : memref<320x128xf32, #tpu.memory_space<vmem>>, vector<16xf32>,
          tpu.vector_store %arg6[%swap3A, %swap3A_52], %max3A {strides = array<i32>} : memref<320x128xf32, #tpu.memory_space<vmem>>, vector<16xf32>,
          %get3A_54 = arith.index_cast %sub3A : i32 to index
          %get3A_55 = arith.constant 16 : index
          %get3A_56 = tpu.vector_load %arg6[%get3A_54, %get3A_55] {strides = array<i32>} : memref<320x128xf32, #tpu.memory_space<vmem>>, vector<16xf32>,
          %get3A_57 = arith.index_cast %scan3A_38 : i32 to index
          %get3A_58 = arith.constant 16 : index
          %get3A_59 = tpu.vector_load %arg9[%get3A_57, %get3A_58] {strides = array<i32>} : memref<256x128xf32, #tpu.memory_space<vmem>>, vector<16xf32>,
          %max3A_60 = arith.maximumf %get3A_56, %get3A_59 : vector<16xf32>
          %swap3A_61 = arith.index_cast %sub3A : i32 to index
          %swap3A_62 = arith.constant 16 : index
          %swap3A_63 = tpu.vector_load %arg6[%swap3A_61, %swap3A_62] {strides = array<i32>} : memref<320x128xf32, #tpu.memory_space<vmem>>, vector<16xf32>,
          tpu.vector_store %arg6[%swap3A_61, %swap3A_62], %max3A_60 {strides = array<i32>} : memref<320x128xf32, #tpu.memory_space<vmem>>, vector<16xf32>,
          %get3A_64 = arith.index_cast %sub3A : i32 to index
          %get3A_65 = arith.constant 32 : index
          %get3A_66 = tpu.vector_load %arg6[%get3A_64, %get3A_65] {strides = array<i32>} : memref<320x128xf32, #tpu.memory_space<vmem>>, vector<16xf32>,
          %get3A_67 = arith.index_cast %scan3A_38 : i32 to index
          %get3A_68 = arith.constant 32 : index
          %get3A_69 = tpu.vector_load %arg9[%get3A_67, %get3A_68] {strides = array<i32>} : memref<256x128xf32, #tpu.memory_space<vmem>>, vector<16xf32>,
          %max3A_70 = arith.maximumf %get3A_66, %get3A_69 : vector<16xf32>
          %swap3A_71 = arith.index_cast %sub3A : i32 to index
          %swap3A_72 = arith.constant 32 : index
          %swap3A_73 = tpu.vector_load %arg6[%swap3A_71, %swap3A_72] {strides = array<i32>} : memref<320x128xf32, #tpu.memory_space<vmem>>, vector<16xf32>,
          tpu.vector_store %arg6[%swap3A_71, %swap3A_72], %max3A_70 {strides = array<i32>} : memref<320x128xf32, #tpu.memory_space<vmem>>, vector<16xf32>,
          %get3A_74 = arith.index_cast %sub3A : i32 to index
          %get3A_75 = arith.constant 48 : index
          %get3A_76 = tpu.vector_load %arg6[%get3A_74, %get3A_75] {strides = array<i32>} : memref<320x128xf32, #tpu.memory_space<vmem>>, vector<16xf32>,
          %get3A_77 = arith.index_cast %scan3A_38 : i32 to index
          %get3A_78 = arith.constant 48 : index
          %get3A_79 = tpu.vector_load %arg9[%get3A_77, %get3A_78] {strides = array<i32>} : memref<256x128xf32, #tpu.memory_space<vmem>>, vector<16xf32>,
          %max3A_80 = arith.maximumf %get3A_76, %get3A_79 : vector<16xf32>
          %swap3A_81 = arith.index_cast %sub3A : i32 to index
          %swap3A_82 = arith.constant 48 : index
          %swap3A_83 = tpu.vector_load %arg6[%swap3A_81, %swap3A_82] {strides = array<i32>} : memref<320x128xf32, #tpu.memory_space<vmem>>, vector<16xf32>,
          tpu.vector_store %arg6[%swap3A_81, %swap3A_82], %max3A_80 {strides = array<i32>} : memref<320x128xf32, #tpu.memory_space<vmem>>, vector<16xf32>,
          %get3A_84 = arith.index_cast %sub3A : i32 to index
          %get3A_85 = arith.constant 64 : index
          %get3A_86 = tpu.vector_load %arg6[%get3A_84, %get3A_85] {strides = array<i32>} : memref<320x128xf32, #tpu.memory_space<vmem>>, vector<16xf32>,
          %get3A_87 = arith.index_cast %scan3A_38 : i32 to index
          %get3A_88 = arith.constant 64 : index
          %get3A_89 = tpu.vector_load %arg9[%get3A_87, %get3A_88] {strides = array<i32>} : memref<256x128xf32, #tpu.memory_space<vmem>>, vector<16xf32>,
          %max3A_90 = arith.maximumf %get3A_86, %get3A_89 : vector<16xf32>
          %swap3A_91 = arith.index_cast %sub3A : i32 to index
          %swap3A_92 = arith.constant 64 : index
          %swap3A_93 = tpu.vector_load %arg6[%swap3A_91, %swap3A_92] {strides = array<i32>} : memref<320x128xf32, #tpu.memory_space<vmem>>, vector<16xf32>,
          tpu.vector_store %arg6[%swap3A_91, %swap3A_92], %max3A_90 {strides = array<i32>} : memref<320x128xf32, #tpu.memory_space<vmem>>, vector<16xf32>,
          %get3A_94 = arith.index_cast %sub3A : i32 to index
          %get3A_95 = arith.constant 80 : index
          %get3A_96 = tpu.vector_load %arg6[%get3A_94, %get3A_95] {strides = array<i32>} : memref<320x128xf32, #tpu.memory_space<vmem>>, vector<16xf32>,
          %get3A_97 = arith.index_cast %scan3A_38 : i32 to index
          %get3A_98 = arith.constant 80 : index
          %get3A_99 = tpu.vector_load %arg9[%get3A_97, %get3A_98] {strides = array<i32>} : memref<256x128xf32, #tpu.memory_space<vmem>>, vector<16xf32>,
          %max3A_100 = arith.maximumf %get3A_96, %get3A_99 : vector<16xf32>
          %swap3A_101 = arith.index_cast %sub3A : i32 to index
          %swap3A_102 = arith.constant 80 : index
          %swap3A_103 = tpu.vector_load %arg6[%swap3A_101, %swap3A_102] {strides = array<i32>} : memref<320x128xf32, #tpu.memory_space<vmem>>, vector<16xf32>,
          tpu.vector_store %arg6[%swap3A_101, %swap3A_102], %max3A_100 {strides = array<i32>} : memref<320x128xf32, #tpu.memory_space<vmem>>, vector<16xf32>,
          %get3A_104 = arith.index_cast %sub3A : i32 to index
          %get3A_105 = arith.constant 96 : index
          %get3A_106 = tpu.vector_load %arg6[%get3A_104, %get3A_105] {strides = array<i32>} : memref<320x128xf32, #tpu.memory_space<vmem>>, vector<16xf32>,
          %get3A_107 = arith.index_cast %scan3A_38 : i32 to index
          %get3A_108 = arith.constant 96 : index
          %get3A_109 = tpu.vector_load %arg9[%get3A_107, %get3A_108] {strides = array<i32>} : memref<256x128xf32, #tpu.memory_space<vmem>>, vector<16xf32>,
          %max3A_110 = arith.maximumf %get3A_106, %get3A_109 : vector<16xf32>
          %swap3A_111 = arith.index_cast %sub3A : i32 to index
          %swap3A_112 = arith.constant 96 : index
          %swap3A_113 = tpu.vector_load %arg6[%swap3A_111, %swap3A_112] {strides = array<i32>} : memref<320x128xf32, #tpu.memory_space<vmem>>, vector<16xf32>,
          tpu.vector_store %arg6[%swap3A_111, %swap3A_112], %max3A_110 {strides = array<i32>} : memref<320x128xf32, #tpu.memory_space<vmem>>, vector<16xf32>,
          %get3A_114 = arith.index_cast %sub3A : i32 to index
          %get3A_115 = arith.constant 112 : index
          %get3A_116 = tpu.vector_load %arg6[%get3A_114, %get3A_115] {strides = array<i32>} : memref<320x128xf32, #tpu.memory_space<vmem>>, vector<16xf32>,
          %get3A_117 = arith.index_cast %scan3A_38 : i32 to index
          %get3A_118 = arith.constant 112 : index
          %get3A_119 = tpu.vector_load %arg9[%get3A_117, %get3A_118] {strides = array<i32>} : memref<256x128xf32, #tpu.memory_space<vmem>>, vector<16xf32>,
          %max3A_120 = arith.maximumf %get3A_116, %get3A_119 : vector<16xf32>
          %swap3A_121 = arith.index_cast %sub3A : i32 to index
          %swap3A_122 = arith.constant 112 : index
          %swap3A_123 = tpu.vector_load %arg6[%swap3A_121, %swap3A_122] {strides = array<i32>} : memref<320x128xf32, #tpu.memory_space<vmem>>, vector<16xf32>,
          tpu.vector_store %arg6[%swap3A_121, %swap3A_122], %max3A_120 {strides = array<i32>} : memref<320x128xf32, #tpu.memory_space<vmem>>, vector<16xf32>,
        } else {
        }
      }
      %scan3A_35 = arith.constant 256 : i32
      %add3A_36 = arith.constant 1 : i32
      %add3A_37 = arith.addi %while3A_26, %add3A_36 : i32
      scf.yield %add3A_37 : i32
    }
    %scan3A_20 = arith.constant 0 : i32
    %scan3A_21 = arith.constant 0 : i32
    %scan3A_22 = arith.constant 320 : i32
    %scan3A_23 = arith.addi %scan3A_21, %scan3A_22 : i32
    %scan3A_24 = arith.constant 1 : i32
    scf.for %scan3A_26 = %scan3A_21 to %scan3A_23 step %scan3A_24  : i32 {
      %get3A_27 = arith.index_cast %scan3A_26 : i32 to index
      %get3A_28 = arith.constant 0 : index
      %get3A_29 = tpu.vector_load %arg6[%get3A_27, %get3A_28] {strides = array<i32>} : memref<320x128xf32, #tpu.memory_space<vmem>>, vector<16xf32>,
      %eq3A = arith.cmpf oeq, %get3A_29, %broadcast_in_dim3A_3 : vector<16xf32>
      %jit3A = arith.constant 0.000000e+00 : f32
      %broadcast_in_dim3A_30 = vector.broadcast %jit3A : f32 to vector<16xf32>
      %select_n3A = arith.select %eq3A, %broadcast_in_dim3A_30, %get3A_29 : vector<16xi1>, vector<16xf32>
      %swap3A = arith.index_cast %scan3A_26 : i32 to index
      %swap3A_31 = arith.constant 0 : index
      %swap3A_32 = tpu.vector_load %arg6[%swap3A, %swap3A_31] {strides = array<i32>} : memref<320x128xf32, #tpu.memory_space<vmem>>, vector<16xf32>,
      tpu.vector_store %arg6[%swap3A, %swap3A_31], %select_n3A {strides = array<i32>} : memref<320x128xf32, #tpu.memory_space<vmem>>, vector<16xf32>,
      %get3A_33 = arith.index_cast %scan3A_26 : i32 to index
      %get3A_34 = arith.constant 16 : index
      %get3A_35 = tpu.vector_load %arg6[%get3A_33, %get3A_34] {strides = array<i32>} : memref<320x128xf32, #tpu.memory_space<vmem>>, vector<16xf32>,
      %eq3A_36 = arith.cmpf oeq, %get3A_35, %broadcast_in_dim3A_3 : vector<16xf32>
      %jit3A_37 = arith.constant 0.000000e+00 : f32
      %broadcast_in_dim3A_38 = vector.broadcast %jit3A_37 : f32 to vector<16xf32>
      %select_n3A_39 = arith.select %eq3A_36, %broadcast_in_dim3A_38, %get3A_35 : vector<16xi1>, vector<16xf32>
      %swap3A_40 = arith.index_cast %scan3A_26 : i32 to index
      %swap3A_41 = arith.constant 16 : index
      %swap3A_42 = tpu.vector_load %arg6[%swap3A_40, %swap3A_41] {strides = array<i32>} : memref<320x128xf32, #tpu.memory_space<vmem>>, vector<16xf32>,
      tpu.vector_store %arg6[%swap3A_40, %swap3A_41], %select_n3A_39 {strides = array<i32>} : memref<320x128xf32, #tpu.memory_space<vmem>>, vector<16xf32>,
      %get3A_43 = arith.index_cast %scan3A_26 : i32 to index
      %get3A_44 = arith.constant 32 : index
      %get3A_45 = tpu.vector_load %arg6[%get3A_43, %get3A_44] {strides = array<i32>} : memref<320x128xf32, #tpu.memory_space<vmem>>, vector<16xf32>,
      %eq3A_46 = arith.cmpf oeq, %get3A_45, %broadcast_in_dim3A_3 : vector<16xf32>
      %jit3A_47 = arith.constant 0.000000e+00 : f32
      %broadcast_in_dim3A_48 = vector.broadcast %jit3A_47 : f32 to vector<16xf32>
      %select_n3A_49 = arith.select %eq3A_46, %broadcast_in_dim3A_48, %get3A_45 : vector<16xi1>, vector<16xf32>
      %swap3A_50 = arith.index_cast %scan3A_26 : i32 to index
      %swap3A_51 = arith.constant 32 : index
      %swap3A_52 = tpu.vector_load %arg6[%swap3A_50, %swap3A_51] {strides = array<i32>} : memref<320x128xf32, #tpu.memory_space<vmem>>, vector<16xf32>,
      tpu.vector_store %arg6[%swap3A_50, %swap3A_51], %select_n3A_49 {strides = array<i32>} : memref<320x128xf32, #tpu.memory_space<vmem>>, vector<16xf32>,
      %get3A_53 = arith.index_cast %scan3A_26 : i32 to index
      %get3A_54 = arith.constant 48 : index
      %get3A_55 = tpu.vector_load %arg6[%get3A_53, %get3A_54] {strides = array<i32>} : memref<320x128xf32, #tpu.memory_space<vmem>>, vector<16xf32>,
      %eq3A_56 = arith.cmpf oeq, %get3A_55, %broadcast_in_dim3A_3 : vector<16xf32>
      %jit3A_57 = arith.constant 0.000000e+00 : f32
      %broadcast_in_dim3A_58 = vector.broadcast %jit3A_57 : f32 to vector<16xf32>
      %select_n3A_59 = arith.select %eq3A_56, %broadcast_in_dim3A_58, %get3A_55 : vector<16xi1>, vector<16xf32>
      %swap3A_60 = arith.index_cast %scan3A_26 : i32 to index
      %swap3A_61 = arith.constant 48 : index
      %swap3A_62 = tpu.vector_load %arg6[%swap3A_60, %swap3A_61] {strides = array<i32>} : memref<320x128xf32, #tpu.memory_space<vmem>>, vector<16xf32>,
      tpu.vector_store %arg6[%swap3A_60, %swap3A_61], %select_n3A_59 {strides = array<i32>} : memref<320x128xf32, #tpu.memory_space<vmem>>, vector<16xf32>,
      %get3A_63 = arith.index_cast %scan3A_26 : i32 to index
      %get3A_64 = arith.constant 64 : index
      %get3A_65 = tpu.vector_load %arg6[%get3A_63, %get3A_64] {strides = array<i32>} : memref<320x128xf32, #tpu.memory_space<vmem>>, vector<16xf32>,
      %eq3A_66 = arith.cmpf oeq, %get3A_65, %broadcast_in_dim3A_3 : vector<16xf32>
      %jit3A_67 = arith.constant 0.000000e+00 : f32
      %broadcast_in_dim3A_68 = vector.broadcast %jit3A_67 : f32 to vector<16xf32>
      %select_n3A_69 = arith.select %eq3A_66, %broadcast_in_dim3A_68, %get3A_65 : vector<16xi1>, vector<16xf32>
      %swap3A_70 = arith.index_cast %scan3A_26 : i32 to index
      %swap3A_71 = arith.constant 64 : index
      %swap3A_72 = tpu.vector_load %arg6[%swap3A_70, %swap3A_71] {strides = array<i32>} : memref<320x128xf32, #tpu.memory_space<vmem>>, vector<16xf32>,
      tpu.vector_store %arg6[%swap3A_70, %swap3A_71], %select_n3A_69 {strides = array<i32>} : memref<320x128xf32, #tpu.memory_space<vmem>>, vector<16xf32>,
      %get3A_73 = arith.index_cast %scan3A_26 : i32 to index
      %get3A_74 = arith.constant 80 : index
      %get3A_75 = tpu.vector_load %arg6[%get3A_73, %get3A_74] {strides = array<i32>} : memref<320x128xf32, #tpu.memory_space<vmem>>, vector<16xf32>,
      %eq3A_76 = arith.cmpf oeq, %get3A_75, %broadcast_in_dim3A_3 : vector<16xf32>
      %jit3A_77 = arith.constant 0.000000e+00 : f32
      %broadcast_in_dim3A_78 = vector.broadcast %jit3A_77 : f32 to vector<16xf32>
      %select_n3A_79 = arith.select %eq3A_76, %broadcast_in_dim3A_78, %get3A_75 : vector<16xi1>, vector<16xf32>
      %swap3A_80 = arith.index_cast %scan3A_26 : i32 to index
      %swap3A_81 = arith.constant 80 : index
      %swap3A_82 = tpu.vector_load %arg6[%swap3A_80, %swap3A_81] {strides = array<i32>} : memref<320x128xf32, #tpu.memory_space<vmem>>, vector<16xf32>,
      tpu.vector_store %arg6[%swap3A_80, %swap3A_81], %select_n3A_79 {strides = array<i32>} : memref<320x128xf32, #tpu.memory_space<vmem>>, vector<16xf32>,
      %get3A_83 = arith.index_cast %scan3A_26 : i32 to index
      %get3A_84 = arith.constant 96 : index
      %get3A_85 = tpu.vector_load %arg6[%get3A_83, %get3A_84] {strides = array<i32>} : memref<320x128xf32, #tpu.memory_space<vmem>>, vector<16xf32>,
      %eq3A_86 = arith.cmpf oeq, %get3A_85, %broadcast_in_dim3A_3 : vector<16xf32>
      %jit3A_87 = arith.constant 0.000000e+00 : f32
      %broadcast_in_dim3A_88 = vector.broadcast %jit3A_87 : f32 to vector<16xf32>
      %select_n3A_89 = arith.select %eq3A_86, %broadcast_in_dim3A_88, %get3A_85 : vector<16xi1>, vector<16xf32>
      %swap3A_90 = arith.index_cast %scan3A_26 : i32 to index
      %swap3A_91 = arith.constant 96 : index
      %swap3A_92 = tpu.vector_load %arg6[%swap3A_90, %swap3A_91] {strides = array<i32>} : memref<320x128xf32, #tpu.memory_space<vmem>>, vector<16xf32>,
      tpu.vector_store %arg6[%swap3A_90, %swap3A_91], %select_n3A_89 {strides = array<i32>} : memref<320x128xf32, #tpu.memory_space<vmem>>, vector<16xf32>,
      %get3A_93 = arith.index_cast %scan3A_26 : i32 to index
      %get3A_94 = arith.constant 112 : index
      %get3A_95 = tpu.vector_load %arg6[%get3A_93, %get3A_94] {strides = array<i32>} : memref<320x128xf32, #tpu.memory_space<vmem>>, vector<16xf32>,
      %eq3A_96 = arith.cmpf oeq, %get3A_95, %broadcast_in_dim3A_3 : vector<16xf32>
      %jit3A_97 = arith.constant 0.000000e+00 : f32
      %broadcast_in_dim3A_98 = vector.broadcast %jit3A_97 : f32 to vector<16xf32>
      %select_n3A_99 = arith.select %eq3A_96, %broadcast_in_dim3A_98, %get3A_95 : vector<16xi1>, vector<16xf32>
      %swap3A_100 = arith.index_cast %scan3A_26 : i32 to index
      %swap3A_101 = arith.constant 112 : index
      %swap3A_102 = tpu.vector_load %arg6[%swap3A_100, %swap3A_101] {strides = array<i32>} : memref<320x128xf32, #tpu.memory_space<vmem>>, vector<16xf32>,
      tpu.vector_store %arg6[%swap3A_100, %swap3A_101], %select_n3A_99 {strides = array<i32>} : memref<320x128xf32, #tpu.memory_space<vmem>>, vector<16xf32>,
    }
    %scan3A_25 = arith.constant 320 : i32
    "tpu.region"() ({
      %run_scoped3A = tpu.sem_alloc : memref<!tpu.dma_semaphore, #tpu.memory_space<semaphore_mem>>
      %dma_start3A = arith.constant 0 : i32
      %dma_start3A_26 = tpu.memref_slice %arg5[%mul3A_2, %dma_start3A] : memref<10240x128xf32, #tpu.memory_space<hbm>> -> memref<320x128xf32, #tpu.memory_space<hbm>>
      %dma_start3A_27 = arith.constant 0 : i32
      %dma_start3A_28 = tpu.memref_slice %arg5[%mul3A_2, %dma_start3A_27] : memref<10240x128xf32, #tpu.memory_space<hbm>> -> memref<320x128xf32, #tpu.memory_space<hbm>>
      tpu.enqueue_dma source(%arg6 : memref<320x128xf32, #tpu.memory_space<vmem>>) target(%dma_start3A_28 : memref<320x128xf32, #tpu.memory_space<hbm>>) target_semaphore(%run_scoped3A : memref<!tpu.dma_semaphore, #tpu.memory_space<semaphore_mem>>)
      %dma_wait3A = arith.constant 0 : i32
      %dma_wait3A_29 = tpu.memref_slice %arg5[%mul3A_2, %dma_wait3A] : memref<10240x128xf32, #tpu.memory_space<hbm>> -> memref<320x128xf32, #tpu.memory_space<hbm>>
      %dma_wait3A_30 = arith.constant 0 : i32
      %dma_wait3A_31 = tpu.memref_slice %arg5[%mul3A_2, %dma_wait3A_30] : memref<10240x128xf32, #tpu.memory_space<hbm>> -> memref<320x128xf32, #tpu.memory_space<hbm>>
      tpu.wait_dma2 semaphore(%run_scoped3A : memref<!tpu.dma_semaphore, #tpu.memory_space<semaphore_mem>>) src(%arg6 : memref<320x128xf32, #tpu.memory_space<vmem>>) dst(%dma_wait3A_31 : memref<320x128xf32, #tpu.memory_space<hbm>>)
      tpu.yield
    }) : () -> ()
    return
  }
}

module attributes {stable_mosaic.version = 14 : i64} {
  func.func @_mm_ab_body(%arg0: i32, %arg1: memref<1280x256xf32, #tpu.memory_space<vmem>>, %arg2: memref<256x128xf32, #tpu.memory_space<vmem>>, %arg3: memref<256x128xf32, #tpu.memory_space<vmem>>, %arg4: memref<1x128xf32, #tpu.memory_space<vmem>>, %arg5: memref<1280x128xf32, #tpu.memory_space<vmem>>, %arg6: memref<1280x128xf32, #tpu.memory_space<vmem>>) attributes {dimension_semantics = [#tpu.dimension_semantics<arbitrary>], iteration_bounds = array<i64: 8>, scalar_prefetch = 0 : i64, scratch_operands = 0 : i64, tpu.core_type = #tpu.core_type<tc>, window_params = [{transform_indices = @transform_0, window_bounds = array<i64: 1280, 256>}, {pipeline_mode = #tpu.pipeline_mode<synchronous>, transform_indices = @transform_1, window_bounds = array<i64: 256, 128>}, {pipeline_mode = #tpu.pipeline_mode<synchronous>, transform_indices = @transform_2, window_bounds = array<i64: 256, 128>}, {pipeline_mode = #tpu.pipeline_mode<synchronous>, transform_indices = @transform_3, window_bounds = array<i64: 1, 128>}, {transform_indices = @transform_4, window_bounds = array<i64: 1280, 128>}, {transform_indices = @transform_5, window_bounds = array<i64: 1280, 128>}]} {
    %get3A = arith.constant 0 : index
    %get3A_0 = arith.constant 0 : index
    %get3A_1 = vector.load %arg1[%get3A, %get3A_0] : memref<1280x256xf32, #tpu.memory_space<vmem>>, vector<1280x256xf32>
    %get3A_2 = arith.constant 0 : index
    %get3A_3 = arith.constant 0 : index
    %get3A_4 = vector.load %arg2[%get3A_2, %get3A_3] : memref<256x128xf32, #tpu.memory_space<vmem>>, vector<256x128xf32>
    %dot_general3A = arith.constant dense<0.000000e+00> : vector<1280x128xf32>
    %dot_general3A_5 = tpu.matmul %get3A_1, %get3A_4, %dot_general3A {dimension_numbers = #tpu.dot_dimension_numbers<[1], [0], [0], [1], [0, 0, 1, 1], [], []>, transpose_lhs_hint = false} : vector<1280x256xf32>, vector<256x128xf32>, vector<1280x128xf32> -> vector<1280x128xf32>
    %get3A_6 = arith.constant 0 : index
    %get3A_7 = arith.constant 0 : index
    %get3A_8 = vector.load %arg4[%get3A_6, %get3A_7] : memref<1x128xf32, #tpu.memory_space<vmem>>, vector<1x128xf32>
    %add3A = vector.broadcast %get3A_8 : vector<1x128xf32> to vector<1280x128xf32>
    %add3A_9 = arith.addf %dot_general3A_5, %add3A : vector<1280x128xf32>
    %swap3A = arith.constant 0 : index
    %swap3A_10 = arith.constant 0 : index
    %swap3A_11 = vector.load %arg5[%swap3A, %swap3A_10] : memref<1280x128xf32, #tpu.memory_space<vmem>>, vector<1280x128xf32>
    tpu.vector_store %arg5[%swap3A, %swap3A_10], %add3A_9 {strides = array<i32>} : memref<1280x128xf32, #tpu.memory_space<vmem>>, vector<1280x128xf32>,
    %get3A_12 = arith.constant 0 : index
    %get3A_13 = arith.constant 0 : index
    %get3A_14 = vector.load %arg3[%get3A_12, %get3A_13] : memref<256x128xf32, #tpu.memory_space<vmem>>, vector<256x128xf32>
    %dot_general3A_15 = arith.constant dense<0.000000e+00> : vector<1280x128xf32>
    %dot_general3A_16 = tpu.matmul %get3A_1, %get3A_14, %dot_general3A_15 {dimension_numbers = #tpu.dot_dimension_numbers<[1], [0], [0], [1], [0, 0, 1, 1], [], []>, transpose_lhs_hint = false} : vector<1280x256xf32>, vector<256x128xf32>, vector<1280x128xf32> -> vector<1280x128xf32>
    %swap3A_17 = arith.constant 0 : index
    %swap3A_18 = arith.constant 0 : index
    %swap3A_19 = vector.load %arg6[%swap3A_17, %swap3A_18] : memref<1280x128xf32, #tpu.memory_space<vmem>>, vector<1280x128xf32>
    tpu.vector_store %arg6[%swap3A_17, %swap3A_18], %dot_general3A_16 {strides = array<i32>} : memref<1280x128xf32, #tpu.memory_space<vmem>>, vector<1280x128xf32>,
    return
  }
  func.func @transform_0(%arg0: i32) -> (i32, i32) {
    %c0_i32 = arith.constant 0 : i32
    %c0_i32_0 = arith.constant 0 : i32
    return %arg0, %c0_i32 : i32, i32
  }
  func.func @transform_1(%arg0: i32) -> (i32, i32) {
    %c0_i32 = arith.constant 0 : i32
    %c0_i32_0 = arith.constant 0 : i32
    %c0_i32_1 = arith.constant 0 : i32
    return %c0_i32, %c0_i32_0 : i32, i32
  }
  func.func @transform_2(%arg0: i32) -> (i32, i32) {
    %c0_i32 = arith.constant 0 : i32
    %c0_i32_0 = arith.constant 0 : i32
    %c0_i32_1 = arith.constant 0 : i32
    return %c0_i32, %c0_i32_0 : i32, i32
  }
  func.func @transform_3(%arg0: i32) -> (i32, i32) {
    %c0_i32 = arith.constant 0 : i32
    %c0_i32_0 = arith.constant 0 : i32
    %c0_i32_1 = arith.constant 0 : i32
    return %c0_i32, %c0_i32_0 : i32, i32
  }
  func.func @transform_4(%arg0: i32) -> (i32, i32) {
    %c0_i32 = arith.constant 0 : i32
    %c0_i32_0 = arith.constant 0 : i32
    return %arg0, %c0_i32 : i32, i32
  }
  func.func @transform_5(%arg0: i32) -> (i32, i32) {
    %c0_i32 = arith.constant 0 : i32
    %c0_i32_0 = arith.constant 0 : i32
    return %arg0, %c0_i32 : i32, i32
  }
}

module attributes {stable_mosaic.version = 14 : i64} {
  func.func @_mm_msg_body(%arg0: i32, %arg1: memref<5384x128xf32, #tpu.memory_space<vmem>>, %arg2: memref<128x128xf32, #tpu.memory_space<vmem>>, %arg3: memref<1x128xf32, #tpu.memory_space<vmem>>, %arg4: memref<5384x128xf32, #tpu.memory_space<vmem>>) attributes {dimension_semantics = [#tpu.dimension_semantics<arbitrary>], iteration_bounds = array<i64: 64>, scalar_prefetch = 0 : i64, scratch_operands = 0 : i64, tpu.core_type = #tpu.core_type<tc>, window_params = [{transform_indices = @transform_0, window_bounds = array<i64: 5384, 128>}, {pipeline_mode = #tpu.pipeline_mode<synchronous>, transform_indices = @transform_1, window_bounds = array<i64: 128, 128>}, {pipeline_mode = #tpu.pipeline_mode<synchronous>, transform_indices = @transform_2, window_bounds = array<i64: 1, 128>}, {transform_indices = @transform_3, window_bounds = array<i64: 5384, 128>}]} {
    %get3A = arith.constant 0 : index
    %get3A_0 = arith.constant 0 : index
    %get3A_1 = vector.load %arg1[%get3A, %get3A_0] : memref<5384x128xf32, #tpu.memory_space<vmem>>, vector<5384x128xf32>
    %get3A_2 = arith.constant 0 : index
    %get3A_3 = arith.constant 0 : index
    %get3A_4 = vector.load %arg2[%get3A_2, %get3A_3] : memref<128x128xf32, #tpu.memory_space<vmem>>, vector<128x128xf32>
    %dot_general3A = arith.constant dense<0.000000e+00> : vector<5384x128xf32>
    %dot_general3A_5 = tpu.matmul %get3A_1, %get3A_4, %dot_general3A {dimension_numbers = #tpu.dot_dimension_numbers<[1], [0], [0], [1], [0, 0, 1, 1], [], []>, transpose_lhs_hint = false} : vector<5384x128xf32>, vector<128x128xf32>, vector<5384x128xf32> -> vector<5384x128xf32>
    %get3A_6 = arith.constant 0 : index
    %get3A_7 = arith.constant 0 : index
    %get3A_8 = vector.load %arg3[%get3A_6, %get3A_7] : memref<1x128xf32, #tpu.memory_space<vmem>>, vector<1x128xf32>
    %add3A = vector.broadcast %get3A_8 : vector<1x128xf32> to vector<5384x128xf32>
    %add3A_9 = arith.addf %dot_general3A_5, %add3A : vector<5384x128xf32>
    %swap3A = arith.constant 0 : index
    %swap3A_10 = arith.constant 0 : index
    %swap3A_11 = vector.load %arg4[%swap3A, %swap3A_10] : memref<5384x128xf32, #tpu.memory_space<vmem>>, vector<5384x128xf32>
    tpu.vector_store %arg4[%swap3A, %swap3A_10], %add3A_9 {strides = array<i32>} : memref<5384x128xf32, #tpu.memory_space<vmem>>, vector<5384x128xf32>,
    return
  }
  func.func @transform_0(%arg0: i32) -> (i32, i32) {
    %c0_i32 = arith.constant 0 : i32
    %c0_i32_0 = arith.constant 0 : i32
    return %arg0, %c0_i32 : i32, i32
  }
  func.func @transform_1(%arg0: i32) -> (i32, i32) {
    %c0_i32 = arith.constant 0 : i32
    %c0_i32_0 = arith.constant 0 : i32
    %c0_i32_1 = arith.constant 0 : i32
    return %c0_i32, %c0_i32_0 : i32, i32
  }
  func.func @transform_2(%arg0: i32) -> (i32, i32) {
    %c0_i32 = arith.constant 0 : i32
    %c0_i32_0 = arith.constant 0 : i32
    %c0_i32_1 = arith.constant 0 : i32
    return %c0_i32, %c0_i32_0 : i32, i32
  }
  func.func @transform_3(%arg0: i32) -> (i32, i32) {
    %c0_i32 = arith.constant 0 : i32
    %c0_i32_0 = arith.constant 0 : i32
    return %arg0, %c0_i32 : i32, i32
  }
}

</mosaic_0001>

<sc_bundles>
// kernel: kernel.10.cloned.1.call-start
scs
__scs_entry_jumppad:
0x0: {  	(pc) =	sbr.rel $0x88, $3  }
0x1: {  	(tag) =	ssettag $0x0;
	lr =	simm.s32 $0x1  }
0x2: {  	[smem:$0x3F9A] =	sst lr;
	_ =	strace $0xD0000000  }
0x3: {  	_ = 	snop  }
0x4: {  	_ = 	snop  }
0x5: {  	_ = 	snop  }
0x6: {  	_ = 	snop  }
0x7: {  	_ = 	snop  }
__scs_overlays_trampoline_lowered:
0x8: {  	[smem:$0x3FA9] =	sst s0  }
0x9: {  	[smem:$0x3FAA] =	sst s1  }
0xa: {  	[smem:$0x3FAB] =	sst s2  }
0xb: {  	[smem:$0x3FAC] =	sst s3  }
0xc: {  	[smem:$0x3FAD] =	sst s4  }
0xd: {  	[smem:$0x3FAE] =	sst s5  }
0xe: {  	[smem:$0x3FAF] =	sst s6  }
0xf: {  	[smem:$0x3FB0] =	sst s7  }
0x10: {  	[smem:$0x3FB1] =	sst s8  }
0x11: {  	[smem:$0x3FB2] =	sst s9;
	s0 =	simm.s32 @!p0 $0x0  }
0x12: {  	s1 =	sld [smem:$0x3F98];
	s0 =	simm.s32 @p0 $0x1  }
0x13: {  	[smem:$0x3FB3] =	sst s0;
	s0 =	simm.s32 @!p1 $0x0  }
0x14: {  	s2 =	sld [smem:$0x3F97];
	s0 =	simm.s32 @p1 $0x1  }
0x15: {  	[smem:$0x3FB4] =	sst s0;
	s0 =	simm.s32 @!p2 $0x0  }
0x16: {  	s3 =	sld [smem:$0x3FDB];
	s0 =	simm.s32 @p2 $0x1  }
0x17: {  	s4 =	simm.s32 $0x1BF5;
	[smem:$0x3FB6] =	sst s0  }
0x18: {  	s0 =	sld [smem:$0x3F99];
	_ =	swait.ge [sflag:s4], $0x0  }
0x19: {  	s7 =	sld [smem:$0x3F9A]  }
0x1a: {  	s8 =	sadd.s32 $0xFFFFE003, lr  }
0x1b: {  	s9 =	sadd.s32 $0xFFFFFEF7, lr;
	s5 =	simm.s32 $0xFFFFFFFF;
	p2 =	slt.u32 s8, $0xFFFFF086  }
0x1c: {  	p1 =	slt.u32 s9, $0xF7A;
	s5 =	simm.s32 @!p2 $0x0  }
0x1d: {  	s5 =	simm.s32 @p1 $0x1;
	p0 =	seq.s32 s7, s2  }
0x1e: {  	s7 =	smul.u32 @!p0 $0xF7A, s2;
	p2 =	seq.s32 @!p0 s5, $0x0  }
0x1f: {  	s9 =	smul.u32 $0xF7A, s1;
	s8 =	simm.s32 @!p0 $0x1BF5;
	p2 =	por !p2, p0  }
0x20: {  	[sflag:s8] =	ssyncset.s32 @!p0 $0xFFFFF086;
	s6 =	sadd.s32 @!p0 s3, s7;
	s7 =	simm.s32 @!p0 $0x108  }
0x21: {  	s3 =	sadd.s32 s3, s9;
	s6 =	sadd.s32 @!p0 $0x88, s6;
	s7 =	simm.s32 @p2 $0x1082  }
0x22: {  	[simem:s7], [sflag:s8] =	dma.local @!p0 [hbm:s6], $0xF7A  }
0x23: {  	s9 =	sor.u32 $0xD0000000, s2;
	s6 =	simm.s32 $0x108;
	_ =	swait.ge @!p0 [sflag:s8], $0x0  }
0x24: {  	s3 =	sadd.s32 $0x88, s3;
	s6 =	simm.s32 @!p1 $0x1082;
	[sflag:s4] =	ssyncset.s32 $0xFFFFF086  }
0x25: {  	[simem:s6], [sflag:s4] =	dma.local [hbm:s3], $0xF7A  }
0x26: {  	[smem:$0x3F9A] =	sst s1;
	(tag) =	ssettag s2;
	_ =	strace s9  }
0x27: {  	s1 =	sld [smem:$0x3FAA]  }
0x28: {  	s2 =	sld [smem:$0x3FAB]  }
0x29: {  	s4 =	sld [smem:$0x3FAD]  }
0x2a: {  	p0 =	seq.s32 s5, $0x0;
	s5 =	sld [smem:$0x3FAE]  }
0x2b: {  	s6 =	sld [smem:$0x3FAF]  }
0x2c: {  	s7 =	sld [smem:$0x3FB0]  }
0x2d: {  	s3 =	simm.s32 $0x108;
	s8 =	sld [smem:$0x3FB1]  }
0x2e: {  	s3 =	simm.s32 @!p0 $0x1082;
	s9 =	sld [smem:$0x3FB2]  }
0x2f: {  	lr =	sadd.s32 s0, s3;
	s0 =	sld [smem:$0x3FA9]  }
0x30: {  	s3 =	sld [smem:$0x3FAC]  }
0x31: {  	[smem:$0x3FB5] =	sst s10  }
0x32: {  	s10 =	sld [smem:$0x3FB3];
	_ =	sdelay $0x3  }
0x33: {  	p0 =	seq.s32 s10, $0x1;
	s10 =	sld [smem:$0x3FB5];
	_ =	sdelay $0x3  }
0x34: {  	[smem:$0x3FB5] =	sst s10  }
0x35: {  	s10 =	sld [smem:$0x3FB4];
	_ =	sdelay $0x3  }
0x36: {  	p1 =	seq.s32 s10, $0x1;
	s10 =	sld [smem:$0x3FB5];
	_ =	sdelay $0x3  }
0x37: {  	[smem:$0x3FB5] =	sst s10  }
0x38: {  	s10 =	sld [smem:$0x3FB6]  }
0x39: {  	_ = 	snop;
	(pc) =	sbr.ind lr, $3  }
0x3a: {  	_ = 	snop  }
0x3b: {  	_ = 	snop  }
0x3c: {  	p2 =	seq.s32 s10, $0x1;
	s10 =	sld [smem:$0x3FB5]  }
0x3d: {  	_ =	shalt  }
0x3e: {  	_ =	shalt  }
0x3f: {  	_ =	shalt  }
0x40: {  	_ =	shalt  }
0x41: {  	_ =	shalt  }
0x42: {  	_ =	shalt  }
0x43: {  	_ =	shalt  }
0x44: {  	_ =	shalt  }
0x45: {  	_ =	shalt  }
0x46: {  	_ =	shalt  }
0x47: {  	_ =	shalt  }
0x48: {  	_ =	shalt  }
0x49: {  	_ =	shalt  }
0x4a: {  	_ =	shalt  }
0x4b: {  	_ =	shalt  }
0x4c: {  	_ =	shalt  }
0x4d: {  	_ =	shalt  }
0x4e: {  	_ =	shalt  }
0x4f: {  	_ =	shalt  }
0x50: {  	_ =	shalt  }
0x51: {  	_ =	shalt  }
0x52: {  	_ =	shalt  }
0x53: {  	_ =	shalt  }
0x54: {  	_ =	shalt  }
0x55: {  	_ =	shalt  }
0x56: {  	_ =	shalt  }
0x57: {  	_ =	shalt  }
0x58: {  	_ =	shalt  }
0x59: {  	_ =	shalt  }
0x5a: {  	_ =	shalt  }
0x5b: {  	_ =	shalt  }
0x5c: {  	_ =	shalt  }
0x5d: {  	_ =	shalt  }
0x5e: {  	_ =	shalt  }
0x5f: {  	_ =	shalt  }
0x60: {  	_ =	shalt  }
0x61: {  	_ =	shalt  }
0x62: {  	_ =	shalt  }
0x63: {  	_ =	shalt  }
0x64: {  	_ =	shalt  }
0x65: {  	_ =	shalt  }
0x66: {  	_ =	shalt  }
0x67: {  	_ =	shalt  }
0x68: {  	_ =	shalt  }
0x69: {  	_ =	shalt  }
0x6a: {  	_ =	shalt  }
0x6b: {  	_ =	shalt  }
0x6c: {  	_ =	shalt  }
0x6d: {  	_ =	shalt  }
0x6e: {  	_ =	shalt  }
0x6f: {  	_ =	shalt  }
0x70: {  	_ =	shalt  }
0x71: {  	_ =	shalt  }
0x72: {  	_ =	shalt  }
0x73: {  	_ =	shalt  }
0x74: {  	_ =	shalt  }
0x75: {  	_ =	shalt  }
0x76: {  	_ =	shalt  }
0x77: {  	_ =	shalt  }
0x78: {  	_ =	shalt  }
0x79: {  	_ =	shalt  }
0x7a: {  	_ =	shalt  }
0x7b: {  	_ =	shalt  }
0x7c: {  	_ =	shalt  }
0x7d: {  	_ =	shalt  }
0x7e: {  	_ =	shalt  }
0x7f: {  	_ =	shalt  }
0x80: {  	_ =	shalt  }
0x81: {  	_ =	shalt  }
0x82: {  	_ =	shalt  }
0x83: {  	_ =	shalt  }
0x84: {  	_ =	shalt  }
0x85: {  	_ =	shalt  }
0x86: {  	_ =	shalt  }
0x87: {  	_ =	shalt  }
.Lfunc_end0:
.L_simem_size_0:
called_computation.1_lowered:
.L_overlay_start_0:
0x88: {  	s2 =	sld [smem:$0x3FD9]  }
0x89: {  	s3 =	sld [smem:$0x3FFE];
	_ =	sdelay $0x1  }
0x8a: {  	s1 =	srdreg.scid  }
0x8b: {  	s0 =	sand.u32 $0x1, s1  }
0x8c: {  	s17 =	sshll.u32 s0, $0xA;
	s2 =	sadd.s32 s3, s2  }
0x8d: {  	s2 =	sadd.s32 s2, s17  }
0x8e: {  	[smem:$0x3FC1] =	sst s2  }
0x8f: {  	_ = 	snop  }
0x90: {  	s2 =	sld [smem:$0x3FD0];
	(tm) =	ssettm $0x1  }
0x91: {  	s18 =	sld [smem:$0x3FFB];
	_ =	sdelay $0x3  }
0x92: {  	_ =	strace s18  }
0x93: {  	s3 =	sld [smem:$0x3FFC];
	_ =	sdelay $0x3  }
0x94: {  	_ =	strace s3  }
0x95: {  	s3 =	sld [smem:$0x3FFD];
	_ =	sdelay $0x3  }
0x96: {  	_ =	strace s3  }
0x97: {  	_ =	strace $0x8FFFFFFF  }
0x98: {  	s19 =	sld [smem:$0x3FDB];
	_ =	sdelay $0x1  }
0x99: {  	s4 =	simm.s32 $_scs_section_size  }
0x9a: {  	s5 =	simm.s32 $_size__tile_overlayer_lowered;
	s6 =	simm.s32 $_tile_overlayer_lowered  }
0x9b: {  	s22 =	simm.s32 $0x1BFF;
	s21 =	sshll.u32 s6, $0x1;
	s3 =	sadd.s32 s4, s19  }
0x9c: {  	s7 =	simm.s32 $0x0;
	s20 =	sshll.u32 s5, $0x1;
	s5 =	sadd.s32 s21, s3  }
0x9d: {  	[timem:s7], [sflag:s22] =	dma.local [hbm:s5], s20  }
0x9e: {  	_ =	swait.ge [sflag:s22], s20  }
0x9f: {  	s4 =	ssub.s32 $0x0, s20;
	[sflag:s22] =	ssyncset.done $0x0  }
0xa0: {  	[sflag:s22] =	ssyncadd.s32 s4;
	_ =	sdelay $0x1  }
0xa1: {  	s23 =	simm.s32 $0x1B8B  }
0xa2: {  	_ =	swait.ge [sflag:s23], $0x1  }
0xa3: {  	[sflag:s23] =	ssyncset.done $0x0  }
0xa4: {  	s25 =	simm.s32 $0x1B8E;
	s24 =	sld [smem:$0x3FFE];
	[sflag:s23] =	ssyncadd.s32 $0xFFFFFFFF  }
0xa5: {  	s26 =	simm.s32 $execute0_lowered;
	[smem:$0x3FD2] =	sst s25  }
0xa6: {  	s5 =	sshll.u32 s26, $0x1;
	_ =	strace $0x80000049;
	[dreg:$0x1] =	wrdreg $0xFFFFFFFF  }
0xa7: {  	s28 =	simm.s32 $_size_execute0_lowered;
	s3 =	sadd.s32 s3, s5;
	[dreg:$0x0] =	wrdreg $0x0  }
0xa8: {  	s5 =	sshll.u32 s28, $0x1;
	[dreg:$0x2] =	wrdreg s3  }
0xa9: {  	[dreg:$0x3] =	wrdreg s5  }
0xaa: {  	[dreg:$0x4] =	wrdreg $0xC0  }
0xab: {  	_ =	task [dreg:s7], $0x5FFFF  }
0xac: {  	[dreg:$0x1] =	wrdreg $0xFFFFFFFF  }
0xad: {  	[dreg:$0x0] =	wrdreg $0x60  }
0xae: {  	[dreg:$0x2] =	wrdreg s24  }
0xaf: {  	[dreg:$0x3] =	wrdreg s2  }
0xb0: {  	[dreg:$0x4] =	wrdreg $0x9  }
0xb1: {  	_ =	task.clear_ibuf [dreg:s7], $0x5FFFF;
	_ =	strace $0x90000049  }
0xb2: {  	s29 =	simm.s32 $0x9;
	_ =	strace $0x8000004B  }
0xb3: {  	_ =	swait.ge [sflag:s29], $0x1  }
0xb4: {  	[sflag:s29] =	ssyncadd.s32 $0xFFFFFFFF  }
0xb5: {  	_ =	strace $0x9000004B  }
0xb6: {  	_ =	sfence  }
0xb7: {  	s30 =	sld [smem:$0x0];
	_ =	sdelay $0x2  }
0xb8: {  	s31 =	sshll.u32 s1, $0xD;
	s1 =	sshrl.u32 s1, $0x2  }
0xb9: {  	s3 =	sand.u32 $0x4000, s31;
	s1 =	sadd.s32 s1, s30  }
0xba: {  	s0 =	sor.u32 s3, s0;
	s1 =	sshll.u32 s1, $0x11  }
0xbb: {  	s0 =	sor.u32 s1, s0  }
0xbc: {  	s0 =	sadd.s32 $0x8F2B, s0  }
0xbd: {  	[sflag:s0] =	ssyncadd.remote.s32 $0x1  }
0xbe: {  	_ =	sfence.sel $0xFFFF  }
0xbf: {  	[dreg:$0x0] =	wrdreg $0xFFFFFFFF;
	(pc) =	sbr.abs _section_cstart, $3  }
0xc0: {  	[dreg:$0x1] =	wrdreg $0xFFFFFFFF  }
0xc1: {  	_ =	task.clear_ibuf [dreg:s7], $0x2FFFF;
	_ =	strace $0x9FFFFFFF  }
0xc2: {  	(tm) =	ssettm $0x7FFFFFFF  }
0xc3: {  	_ =	shalt  }
tec
execute0_lowered:
.L_overlay_start_1:
0x0: {  	(tag) =	ssettag $0x1  }
0x1: {  	s0 =	rddreg [dreg:$0x0]  }
0x2: {  	s1 =	rddreg [dreg:$0x1]  }
0x3: {  	s2 =	simm.s32 $0x0;
	s4 =	srdreg.scid;
	s30 =	stileid.u32  }
0x4: {  	s14 =	simm.s32 $0x3;
	s16 =	simm.s32 $0x280;
	s17 =	simm.s32 $0x100  }
0x5: {  	s18 =	simm.s32 $0x380;
	s19 =	simm.s32 $0x580;
	s20 =	simm.s32 $0x480  }
0x6: {  	s21 =	simm.s32 $0x680;
	s22 =	simm.s32 $0x2;
	s23 =	simm.s32 $0x8680  }
0x7: {  	s24 =	simm.s32 $0x1;
	s25 =	simm.s32 $0x0;
	[smem:$0x7FF] =	sst s2  }
0x8: {  	s3 =	sadd.s32 $0x154C00, s0;
	s5 =	sadd.s32 $0xC400, s0;
	s6 =	sadd.s32 $0x2600, s0  }
0x9: {  	s7 =	sadd.s32 $0x154E00, s0;
	s4 =	sand.u32 $0x1, s4;
	s8 =	sadd.s32 $0x17CE00, s0  }
.Ltmp0:
0xa: {  	s10 =	sshll.u32 s30, $0x1;
	s9 =	sadd.s32 $0x1A4E00, s0;
	(pc) =	sbr.rel .LBB2_1-.Ltmp0, $4  }
0xb: {  	s12 =	sadd.s32 $0x3FEA, s30;
	s11 =	ssub.s32 $0x2, s4;
	s10 =	sor.u32 s4, s10  }
0xc: {  	_ =	strace $0x8000004A;
	s31 =	sshrl.u32 s11, $0x1;
	s4 =	smul.u32 $0x140, s10  }
0xd: {  	[dreg:$0x3] =	wrdreg s3;
	s15 =	sshll.u32 s10, $0x6;
	s0 =	ssub.s32 s11, s31  }
0xe: {  	s11 =	smul.u32 $0x52200, s10;
	s15 =	sshrl.u32 s15, $0x2;
	s13 =	smax.u32 s0, $0x1;
	v0 =	vmov s4  }
.LBB2_10:
0xf: {  	s25 =	sadd.s32 $0x1, s25  }
0x10: {  	p0 =	sne.s32 s25, s13  }
.Ltmp1:
0x11: {  	_ = 	snop;
	(pc) =	sbr.rel @!p0 .LBB2_11-.Ltmp1, $1  }
0x12: {  	_ =	sdelay $0x3  }
.LBB2_1:
0x13: {  	s0 =	rddreg [dreg:$0x3]  }
0x14: {  	[tilespmem:s2], [sflag:$0x3] =	stream.linear.gather [hbm4b:s0+s2], $0x200, $0x38;
	[tilespmem:$0x10680] =	vst v63  }
0x15: {  	_ =	swait.ge [sflag:s14], $0x200  }
0x16: {  	[sflag:s14] =	ssyncset.done $0x0  }
0x17: {  	[sflag:s14] =	ssyncadd.s32 $0xFFFFFE00  }
0x18: {  	v1 =	vld [tilespmem:s2+$0x0]  }
0x19: {  	s26 =	simm.s32 $0x10  }
0x1a: {  	s31 =	simm.s32 $0x20;
	v2 =	vld [tilespmem:s26+$0x0]  }
0x1b: {  	v3 =	vld [tilespmem:s31+$0x0];
	_ =	sdelay $0x1  }
0x1c: {  	(v2sf) =	vpush v1, $0x0;
	_ =	sdelay $0x1  }
0x1d: {  	(v2sf) =	vpush v2, $0x0  }
0x1e: {  	(v2sf) =	vpush v3, $0x0;
	_ =	sdelay $0x7  }
0x1f: {  	s4 =	simm.s32 $0x1;
	s28 =	simm.s32 $0x3;
	s30 =	simm.s32 $0x30  }
0x20: {  	s29 =	simm.s32 $0x0;
	s0 =	simm.s32 $0x2;
	s26 =	simm.s32 $0x0  }
.LBB2_2:
0x21: {  	v1 =	vld [tilespmem:s30+$0x0];
	p0 =	sne.s32 s28, $0x1F;
	s31 =	smov.u32 s28;
	s28 =	sadd.s32 $0x1, s28  }
.Ltmp2:
0x22: {  	(pc) =	sbr.rel @p0 .LBB2_2-.Ltmp2, $4  }
0x23: {  	p1 =	slt.u32 s29, s10;
	s29 =	smov.u32 s4;
	s3 =	spop (v2sf)  }
0x24: {  	s4 =	smov.u32 s0;
	s0 =	smov.u32 s31;
	s3 =	simm.s32 @!p1 $0x0  }
0x25: {  	s26 =	sadd.s32 s26, s3  }
0x26: {  	s30 =	sadd.s32 $0x10, s30;
	(v2sf) =	vpush v1, $0x0  }
0x27: {  	v1 =	vld [tilespmem:s15+$0x0];
	_ =	sdelay $0x4  }
0x28: {  	(v2sf) =	vpush v1, $0x0;
	_ =	sdelay $0xb  }
0x29: {  	s3 =	spop (v2sf);
	p0 =	slt.u32 s29, s10  }
0x2a: {  	s3 =	simm.s32 @!p0 $0x0;
	s28 =	spop (v2sf)  }
0x2b: {  	p0 =	slt.u32 s4, s10;
	s3 =	sadd.s32 s26, s3;
	s4 =	spop (v2sf)  }
0x2c: {  	s28 =	simm.s32 @!p0 $0x0;
	p0 =	slt.u32 s0, s10;
	s26 =	spop (v2sf)  }
0x2d: {  	s4 =	simm.s32 @!p0 $0x0;
	p0 =	slt.s32 s26, $0x1  }
.Ltmp3:
0x2e: {  	_ = 	snop;
	(pc) =	sbr.rel @p0 .LBB2_10-.Ltmp3, $3  }
0x2f: {  	_ =	sdelay $0x1  }
0x30: {  	s31 =	sadd.s32 s3, s28  }
0x31: {  	s28 =	sadd.s32 s31, s4  }
0x32: {  	s0 =	sand.u32 $0x7, s28;
	s29 =	simm.s32 $0x0  }
0x33: {  	s31 =	simm.s32 $0x0;
	s30 =	simm.s32 $0x0;
	p0 =	seq.s32 s0, $0x0  }
.LBB2_5:
0x34: {  	s0 =	sadd.s32 s11, s31  }
0x35: {  	s0 =	sshrl.u32 s0, $0x3  }
0x36: {  	s0 =	sadd.s32 s5, s0  }
0x37: {  	[tilespmem:s16], [sflag:$0x3] =	stream.linear.gather [hbm4b:s0+s29], $0x100, $0x38;
	[tilespmem:$0x10680] =	vst v63  }
0x38: {  	_ =	swait.ge [sflag:s14], $0x100  }
0x39: {  	[sflag:s14] =	ssyncset.done $0x0  }
0x3a: {  	s0 =	simm.s32 $0x0;
	[sflag:s14] =	ssyncadd.s32 $0xFFFFFF00  }
0x3b: {  	v1 =	vld [tilespmem:s0+$0x280]  }
0x3c: {  	s4 =	simm.s32 $0x40  }
.LBB2_6:
0x3d: {  	p1 =	sne.s32 s4, $0x3C0  }
.Ltmp4:
0x3e: {  	_ = 	snop;
	(pc) =	sbr.rel @p1 .LBB2_6-.Ltmp4, $4  }
0x3f: {  	_ = 	snop  }
0x40: {  	s3 =	sshra.s32 s4, $0x2;
	s4 =	sadd.s32 $0x40, s4;
	v2 =	vshrl.u32 v1, $0x9;
	v3 =	vand.u32 $0x1FF, v1  }
0x41: {  	v1 =	vld [tilespmem:s3+$0x280];
	[tilespmem:s0+$0x380] =	vst v2;
	v2 =	vadd.s32 v0, v3  }
0x42: {  	[tilespmem:s0+$0x480] =	vst v2;
	s0 =	smov.u32 s3  }
0x43: {  	_ =	sdelay $0x2  }
0x44: {  	v2 =	vshrl.u32 v1, $0x9;
	v1 =	vand.u32 $0x1FF, v1  }
0x45: {  	[tilespmem:s0+$0x380] =	vst v2;
	v1 =	vadd.s32 v0, v1  }
0x46: {  	[tilespmem:s0+$0x480] =	vst v1  }
0x47: {  	[tilespmem:s19], [sflag:$0x2] =	stream.indirect.gather [hbm4b:s6+s17], $0x1, s18, s17, $0xb8;
	[tilespmem:$0x10680] =	vst v63  }
0x48: {  	_ = 	snop  }
0x49: {  	[tilespmem:s21], [sflag:$0x1] =	stream.indirect.gather [hbm4b:s7+s17], $0x80, s20, s17, $0xb8;
	[tilespmem:$0x10680] =	vst v63  }
0x4a: {  	_ =	swait.ge [sflag:s22], $0x100  }
0x4b: {  	[sflag:s22] =	ssyncset.done $0x0  }
0x4c: {  	[sflag:s22] =	ssyncadd.s32 $0xFFFFFF00  }
0x4d: {  	[tilespmem:s23], [sflag:$0x2] =	stream.indirect.gather [hbm4b:s8+s17], $0x80, s19, s17, $0xb8;
	[tilespmem:$0x10680] =	vst v63  }
0x4e: {  	_ =	swait.ge [sflag:s24], $0x8000  }
0x4f: {  	[sflag:s24] =	ssyncset.done $0x0  }
0x50: {  	[sflag:s24] =	ssyncadd.s32 $0xFFFF8000  }
0x51: {  	_ =	swait.ge [sflag:s22], $0x8000  }
0x52: {  	[sflag:s22] =	ssyncset.done $0x0  }
0x53: {  	s0 =	simm.s32 $0x0;
	[sflag:s22] =	ssyncadd.s32 $0xFFFF8000  }
0x54: {  	v7 =	vld [tilespmem:s0+$0x8680]  }
0x55: {  	v12 =	vld [tilespmem:s0+$0x8690]  }
0x56: {  	v6 =	vld [tilespmem:s0+$0x86A0]  }
0x57: {  	v5 =	vld [tilespmem:s0+$0x86B0]  }
0x58: {  	v4 =	vld [tilespmem:s0+$0x86C0]  }
0x59: {  	v3 =	vld [tilespmem:s0+$0x86D0]  }
0x5a: {  	v2 =	vld [tilespmem:s0+$0x86E0]  }
0x5b: {  	v1 =	vld [tilespmem:s0+$0x86F0]  }
0x5c: {  	v13 =	vld [tilespmem:s0+$0x680]  }
0x5d: {  	v14 =	vld [tilespmem:s0+$0x690]  }
0x5e: {  	v11 =	vld [tilespmem:s0+$0x6A0]  }
0x5f: {  	v10 =	vld [tilespmem:s0+$0x6B0]  }
0x60: {  	v9 =	vld [tilespmem:s0+$0x6C0]  }
0x61: {  	v8 =	vld [tilespmem:s0+$0x6D0];
	v13 =	vadd.f32 v7, v13  }
0x62: {  	s4 =	simm.s32 $0x200;
	v12 =	vadd.f32 v12, v14;
	v7 =	vld [tilespmem:s0+$0x6E0]  }
.LBB2_8:
0x63: {  	s3 =	sshra.s32 s4, $0x2;
	p1 =	sne.s32 s4, $0x1FE00;
	v13 =	vmax.f32 v13, $0.0e+00;
	v6 =	vadd.f32 v6, v11;
	v11 =	vld [tilespmem:s0+$0x6F0]  }
0x64: {  	v14 =	vld [tilespmem:s3+$0x8680];
	[tilespmem:s0+$0x680] =	vst v13;
	v12 =	vmax.f32 v12, $0.0e+00;
	v5 =	vadd.f32 v5, v10  }
0x65: {  	v15 =	vld [tilespmem:s3+$0x8690];
	[tilespmem:s0+$0x690] =	vst v12;
	v10 =	vmax.f32 v6, $0.0e+00;
	v4 =	vadd.f32 v4, v9  }
0x66: {  	v6 =	vld [tilespmem:s3+$0x86A0];
	[tilespmem:s0+$0x6A0] =	vst v10;
	v9 =	vmax.f32 v5, $0.0e+00;
	v3 =	vadd.f32 v3, v8  }
0x67: {  	v5 =	vld [tilespmem:s3+$0x86B0];
	[tilespmem:s0+$0x6B0] =	vst v9;
	v8 =	vmax.f32 v4, $0.0e+00;
	v2 =	vadd.f32 v2, v7  }
0x68: {  	v4 =	vld [tilespmem:s3+$0x86C0];
	[tilespmem:s0+$0x6C0] =	vst v8;
	v7 =	vmax.f32 v3, $0.0e+00;
	v1 =	vadd.f32 v1, v11  }
0x69: {  	v3 =	vld [tilespmem:s3+$0x86D0];
	[tilespmem:s0+$0x6D0] =	vst v7;
	v7 =	vmax.f32 v2, $0.0e+00  }
0x6a: {  	v2 =	vld [tilespmem:s3+$0x86E0];
	[tilespmem:s0+$0x6E0] =	vst v7;
	v7 =	vmax.f32 v1, $0.0e+00  }
0x6b: {  	v1 =	vld [tilespmem:s3+$0x86F0];
	[tilespmem:s0+$0x6F0] =	vst v7;
	s0 =	smov.u32 s3  }
0x6c: {  	v7 =	vld [tilespmem:s0+$0x680]  }
0x6d: {  	v12 =	vld [tilespmem:s0+$0x690]  }
.Ltmp5:
0x6e: {  	v11 =	vld [tilespmem:s0+$0x6A0];
	(pc) =	sbr.rel @p1 .LBB2_8-.Ltmp5, $4  }
0x6f: {  	v10 =	vld [tilespmem:s0+$0x6B0]  }
0x70: {  	v9 =	vld [tilespmem:s0+$0x6C0]  }
0x71: {  	v13 =	vadd.f32 v14, v7;
	v8 =	vld [tilespmem:s0+$0x6D0]  }
0x72: {  	s4 =	sadd.s32 $0x200, s4;
	v12 =	vadd.f32 v15, v12;
	v7 =	vld [tilespmem:s0+$0x6E0]  }
0x73: {  	v13 =	vmax.f32 v13, $0.0e+00;
	v6 =	vadd.f32 v6, v11;
	v63 =	vld [tilespmem:s0+$0x6F0]  }
0x74: {  	[tilespmem:s0+$0x680] =	vst v13;
	v12 =	vmax.f32 v12, $0.0e+00;
	v5 =	vadd.f32 v5, v10  }
0x75: {  	[tilespmem:s0+$0x690] =	vst v12;
	v6 =	vmax.f32 v6, $0.0e+00;
	v4 =	vadd.f32 v4, v9  }
0x76: {  	[tilespmem:s0+$0x6A0] =	vst v6;
	v5 =	vmax.f32 v5, $0.0e+00;
	v3 =	vadd.f32 v3, v8  }
0x77: {  	[tilespmem:s0+$0x6B0] =	vst v5;
	v4 =	vmax.f32 v4, $0.0e+00;
	v2 =	vadd.f32 v2, v7  }
0x78: {  	s3 =	sadd.s32 s28, s31;
	[tilespmem:s0+$0x6C0] =	vst v4;
	v3 =	vmax.f32 v3, $0.0e+00;
	v1 =	vadd.f32 v1, v63  }
0x79: {  	s4 =	sshll.u32 s3, $0x4;
	[tilespmem:s0+$0x6D0] =	vst v3;
	v2 =	vmax.f32 v2, $0.0e+00  }
0x7a: {  	s4 =	sand.u32 $0xFFFFF80, s4;
	[tilespmem:s0+$0x6E0] =	vst v2;
	v1 =	vmax.f32 v1, $0.0e+00  }
0x7b: {  	s4 =	sadd.s32 s9, s4;
	[tilespmem:s0+$0x6F0] =	vst v1  }
0x7c: {  	[hbm4b:s4+s2] =	stream.linear.scatter [tilespmem:s21], [sflag:$0x3], $0x8000, $0x38;
	[tilespmem:$0x10680] =	vst v63  }
0x7d: {  	_ =	swait.ge [sflag:s14], $0x8000  }
0x7e: {  	s0 =	sld [smem:$0x7FF];
	_ =	sdelay $0x2  }
0x7f: {  	p1 =	sne.s32 @!p0 s0, $0x1  }
0x80: {  	[sflag:s14] =	ssyncset.done $0x0;
	p1 =	por !p1, p0  }
0x81: {  	[sflag:s14] =	ssyncadd.s32 $0xFFFF8000;
	s0 =	sor.u32 @!p1 $0x100000, s12  }
0x82: {  	[smem:s0], [sflag:$0x0] =	smem.add.s32 @!p1 $0x91;
	s0 =	simm.s32 @!p1 $0x0  }
0x83: {  	s4 =	simm.s32 @!p1 $0x1;
	_ =	swait.done @!p1 [sflag:s0]  }
0x84: {  	s30 =	sadd.s32 $0x1, s30;
	[smem:$0x7FF] =	sst @!p1 s4  }
0x85: {  	s3 =	sshrl.u32 s3, $0x3;
	s31 =	sshll.u32 s30, $0x8;
	_ =	sint @!p1 $0x2  }
0x86: {  	s4 =	sadd.s32 s1, s3;
	_ =	swait.notdone @!p1 [sflag:s0];
	p1 =	slt.s32 s31, s26  }
0x87: {  	[hbm4b:s4+s2] =	stream.linear.scatter [tilespmem:s20], [sflag:$0x3], $0x100, $0x38;
	[tilespmem:$0x10680] =	vst v63  }
.Ltmp6:
0x88: {  	_ = 	snop;
	(pc) =	sbr.rel @p1 .LBB2_5-.Ltmp6, $4  }
.Ltmp7:
0x89: {  	_ = 	snop;
	(pc) =	sbr.rel @!p1 .LBB2_10-.Ltmp7, $4  }
0x8a: {  	_ =	swait.ge [sflag:s14], $0x100  }
0x8b: {  	[sflag:s14] =	ssyncset.done $0x0  }
0x8c: {  	[sflag:s14] =	ssyncadd.s32 $0xFFFFFF00  }
0x8d: {  	_ = 	snop  }
.LBB2_11:
0x8e: {  	_ =	sfence.sel $0x180000  }
0x8f: {  	[bflag:$0x0] =	sbarrier.arrive $0xFFFF  }
0x90: {  	_ =	strace $0x9000004A  }
0x91: {  	s0 =	stileid.u32;
	[bflag:$0x2] =	sbarrier.arrive $0xFFFF  }
0x92: {  	p0 =	sne.s32 s0, $0x0;
	s0 =	rddreg [dreg:$0x2]  }
0x93: {  	s0 =	sadd.s32 @!p0 $0x100000, s0  }
0x94: {  	[sflag:s0] =	ssyncadd.tile.s32 @!p0 $0x1;
	_ =	shalt  }
.Lfunc_end2:
_tile_overlayer_lowered:
.L_overlay_start_2:
0x95: {  	(tag) =	ssettag $0x2  }
0x96: {  	s0 =	rddreg [dreg:$0x0];
	s2 =	stileid.u32  }
0x97: {  	s1 =	rddreg [dreg:$0x1];
	p0 =	sne.s32 s2, $0x0  }
0x98: {  	s3 =	rddreg [dreg:$0x2];
	[bflag:$0x3] =	sbarrier.arrive $0xFFFF;
	s2 =	simm.s32 @!p0 $0x1C03  }
0x99: {  	[timem:s3], [sflag:s2] =	dma.local @!p0 [hbm:s0], s1  }
0x9a: {  	s0 =	simm.s32 @!p0 $0x3  }
0x9b: {  	_ =	swait.ge @!p0 [sflag:s0], s1  }
0x9c: {  	s1 =	ssub.s32 @!p0 $0x0, s1;
	[sflag:s0] =	ssyncset.done @!p0 $0x0  }
0x9d: {  	[sflag:s0] =	ssyncadd.s32 @!p0 s1  }
0x9e: {  	[bflag:$0x3] =	sbarrier.arrive $0xFFFF  }
0x9f: {  	_ =	shalt  }

// kernel: kernel.13.cloned.1.call-start
scs
__scs_entry_jumppad:
0x0: {  	(pc) =	sbr.rel $0x88, $3  }
0x1: {  	(tag) =	ssettag $0x0;
	lr =	simm.s32 $0x1  }
0x2: {  	[smem:$0x3F9A] =	sst lr;
	_ =	strace $0xD0000000  }
0x3: {  	_ = 	snop  }
0x4: {  	_ = 	snop  }
0x5: {  	_ = 	snop  }
0x6: {  	_ = 	snop  }
0x7: {  	_ = 	snop  }
__scs_overlays_trampoline_lowered:
0x8: {  	[smem:$0x3FA9] =	sst s0  }
0x9: {  	[smem:$0x3FAA] =	sst s1  }
0xa: {  	[smem:$0x3FAB] =	sst s2  }
0xb: {  	[smem:$0x3FAC] =	sst s3  }
0xc: {  	[smem:$0x3FAD] =	sst s4  }
0xd: {  	[smem:$0x3FAE] =	sst s5  }
0xe: {  	[smem:$0x3FAF] =	sst s6  }
0xf: {  	[smem:$0x3FB0] =	sst s7  }
0x10: {  	[smem:$0x3FB1] =	sst s8  }
0x11: {  	[smem:$0x3FB2] =	sst s9;
	s0 =	simm.s32 @!p0 $0x0  }
0x12: {  	s1 =	sld [smem:$0x3F98];
	s0 =	simm.s32 @p0 $0x1  }
0x13: {  	[smem:$0x3FB3] =	sst s0;
	s0 =	simm.s32 @!p1 $0x0  }
0x14: {  	s2 =	sld [smem:$0x3F97];
	s0 =	simm.s32 @p1 $0x1  }
0x15: {  	[smem:$0x3FB4] =	sst s0;
	s0 =	simm.s32 @!p2 $0x0  }
0x16: {  	s3 =	sld [smem:$0x3FDB];
	s0 =	simm.s32 @p2 $0x1  }
0x17: {  	s4 =	simm.s32 $0x1BF5;
	[smem:$0x3FB6] =	sst s0  }
0x18: {  	s0 =	sld [smem:$0x3F99];
	_ =	swait.ge [sflag:s4], $0x0  }
0x19: {  	s7 =	sld [smem:$0x3F9A]  }
0x1a: {  	s8 =	sadd.s32 $0xFFFFE003, lr  }
0x1b: {  	s9 =	sadd.s32 $0xFFFFFEF7, lr;
	s5 =	simm.s32 $0xFFFFFFFF;
	p2 =	slt.u32 s8, $0xFFFFF086  }
0x1c: {  	p1 =	slt.u32 s9, $0xF7A;
	s5 =	simm.s32 @!p2 $0x0  }
0x1d: {  	s5 =	simm.s32 @p1 $0x1;
	p0 =	seq.s32 s7, s2  }
0x1e: {  	s7 =	smul.u32 @!p0 $0xF7A, s2;
	p2 =	seq.s32 @!p0 s5, $0x0  }
0x1f: {  	s9 =	smul.u32 $0xF7A, s1;
	s8 =	simm.s32 @!p0 $0x1BF5;
	p2 =	por !p2, p0  }
0x20: {  	[sflag:s8] =	ssyncset.s32 @!p0 $0xFFFFF086;
	s6 =	sadd.s32 @!p0 s3, s7;
	s7 =	simm.s32 @!p0 $0x108  }
0x21: {  	s3 =	sadd.s32 s3, s9;
	s6 =	sadd.s32 @!p0 $0x88, s6;
	s7 =	simm.s32 @p2 $0x1082  }
0x22: {  	[simem:s7], [sflag:s8] =	dma.local @!p0 [hbm:s6], $0xF7A  }
0x23: {  	s9 =	sor.u32 $0xD0000000, s2;
	s6 =	simm.s32 $0x108;
	_ =	swait.ge @!p0 [sflag:s8], $0x0  }
0x24: {  	s3 =	sadd.s32 $0x88, s3;
	s6 =	simm.s32 @!p1 $0x1082;
	[sflag:s4] =	ssyncset.s32 $0xFFFFF086  }
0x25: {  	[simem:s6], [sflag:s4] =	dma.local [hbm:s3], $0xF7A  }
0x26: {  	[smem:$0x3F9A] =	sst s1;
	(tag) =	ssettag s2;
	_ =	strace s9  }
0x27: {  	s1 =	sld [smem:$0x3FAA]  }
0x28: {  	s2 =	sld [smem:$0x3FAB]  }
0x29: {  	s4 =	sld [smem:$0x3FAD]  }
0x2a: {  	p0 =	seq.s32 s5, $0x0;
	s5 =	sld [smem:$0x3FAE]  }
0x2b: {  	s6 =	sld [smem:$0x3FAF]  }
0x2c: {  	s7 =	sld [smem:$0x3FB0]  }
0x2d: {  	s3 =	simm.s32 $0x108;
	s8 =	sld [smem:$0x3FB1]  }
0x2e: {  	s3 =	simm.s32 @!p0 $0x1082;
	s9 =	sld [smem:$0x3FB2]  }
0x2f: {  	lr =	sadd.s32 s0, s3;
	s0 =	sld [smem:$0x3FA9]  }
0x30: {  	s3 =	sld [smem:$0x3FAC]  }
0x31: {  	[smem:$0x3FB5] =	sst s10  }
0x32: {  	s10 =	sld [smem:$0x3FB3];
	_ =	sdelay $0x3  }
0x33: {  	p0 =	seq.s32 s10, $0x1;
	s10 =	sld [smem:$0x3FB5];
	_ =	sdelay $0x3  }
0x34: {  	[smem:$0x3FB5] =	sst s10  }
0x35: {  	s10 =	sld [smem:$0x3FB4];
	_ =	sdelay $0x3  }
0x36: {  	p1 =	seq.s32 s10, $0x1;
	s10 =	sld [smem:$0x3FB5];
	_ =	sdelay $0x3  }
0x37: {  	[smem:$0x3FB5] =	sst s10  }
0x38: {  	s10 =	sld [smem:$0x3FB6]  }
0x39: {  	_ = 	snop;
	(pc) =	sbr.ind lr, $3  }
0x3a: {  	_ = 	snop  }
0x3b: {  	_ = 	snop  }
0x3c: {  	p2 =	seq.s32 s10, $0x1;
	s10 =	sld [smem:$0x3FB5]  }
0x3d: {  	_ =	shalt  }
0x3e: {  	_ =	shalt  }
0x3f: {  	_ =	shalt  }
0x40: {  	_ =	shalt  }
0x41: {  	_ =	shalt  }
0x42: {  	_ =	shalt  }
0x43: {  	_ =	shalt  }
0x44: {  	_ =	shalt  }
0x45: {  	_ =	shalt  }
0x46: {  	_ =	shalt  }
0x47: {  	_ =	shalt  }
0x48: {  	_ =	shalt  }
0x49: {  	_ =	shalt  }
0x4a: {  	_ =	shalt  }
0x4b: {  	_ =	shalt  }
0x4c: {  	_ =	shalt  }
0x4d: {  	_ =	shalt  }
0x4e: {  	_ =	shalt  }
0x4f: {  	_ =	shalt  }
0x50: {  	_ =	shalt  }
0x51: {  	_ =	shalt  }
0x52: {  	_ =	shalt  }
0x53: {  	_ =	shalt  }
0x54: {  	_ =	shalt  }
0x55: {  	_ =	shalt  }
0x56: {  	_ =	shalt  }
0x57: {  	_ =	shalt  }
0x58: {  	_ =	shalt  }
0x59: {  	_ =	shalt  }
0x5a: {  	_ =	shalt  }
0x5b: {  	_ =	shalt  }
0x5c: {  	_ =	shalt  }
0x5d: {  	_ =	shalt  }
0x5e: {  	_ =	shalt  }
0x5f: {  	_ =	shalt  }
0x60: {  	_ =	shalt  }
0x61: {  	_ =	shalt  }
0x62: {  	_ =	shalt  }
0x63: {  	_ =	shalt  }
0x64: {  	_ =	shalt  }
0x65: {  	_ =	shalt  }
0x66: {  	_ =	shalt  }
0x67: {  	_ =	shalt  }
0x68: {  	_ =	shalt  }
0x69: {  	_ =	shalt  }
0x6a: {  	_ =	shalt  }
0x6b: {  	_ =	shalt  }
0x6c: {  	_ =	shalt  }
0x6d: {  	_ =	shalt  }
0x6e: {  	_ =	shalt  }
0x6f: {  	_ =	shalt  }
0x70: {  	_ =	shalt  }
0x71: {  	_ =	shalt  }
0x72: {  	_ =	shalt  }
0x73: {  	_ =	shalt  }
0x74: {  	_ =	shalt  }
0x75: {  	_ =	shalt  }
0x76: {  	_ =	shalt  }
0x77: {  	_ =	shalt  }
0x78: {  	_ =	shalt  }
0x79: {  	_ =	shalt  }
0x7a: {  	_ =	shalt  }
0x7b: {  	_ =	shalt  }
0x7c: {  	_ =	shalt  }
0x7d: {  	_ =	shalt  }
0x7e: {  	_ =	shalt  }
0x7f: {  	_ =	shalt  }
0x80: {  	_ =	shalt  }
0x81: {  	_ =	shalt  }
0x82: {  	_ =	shalt  }
0x83: {  	_ =	shalt  }
0x84: {  	_ =	shalt  }
0x85: {  	_ =	shalt  }
0x86: {  	_ =	shalt  }
0x87: {  	_ =	shalt  }
.Lfunc_end0:
.L_simem_size_0:
called_computation.2_lowered:
.L_overlay_start_0:
0x88: {  	s2 =	sld [smem:$0x3FD9]  }
0x89: {  	s3 =	sld [smem:$0x3FFE];
	_ =	sdelay $0x1  }
0x8a: {  	s1 =	srdreg.scid  }
0x8b: {  	s0 =	sand.u32 $0x1, s1  }
0x8c: {  	s17 =	sshll.u32 s0, $0xA;
	s2 =	sadd.s32 s3, s2  }
0x8d: {  	s2 =	sadd.s32 s2, s17  }
0x8e: {  	[smem:$0x3FC1] =	sst s2  }
0x8f: {  	_ = 	snop  }
0x90: {  	s2 =	sld [smem:$0x3FD0];
	(tm) =	ssettm $0x1  }
0x91: {  	s18 =	sld [smem:$0x3FFB];
	_ =	sdelay $0x3  }
0x92: {  	_ =	strace s18  }
0x93: {  	s3 =	sld [smem:$0x3FFC];
	_ =	sdelay $0x3  }
0x94: {  	_ =	strace s3  }
0x95: {  	s3 =	sld [smem:$0x3FFD];
	_ =	sdelay $0x3  }
0x96: {  	_ =	strace s3  }
0x97: {  	_ =	strace $0x8FFFFFFF  }
0x98: {  	s19 =	sld [smem:$0x3FDB];
	_ =	sdelay $0x1  }
0x99: {  	s4 =	simm.s32 $_scs_section_size  }
0x9a: {  	s5 =	simm.s32 $_size__tile_overlayer_lowered;
	s6 =	simm.s32 $_tile_overlayer_lowered  }
0x9b: {  	s22 =	simm.s32 $0x1BFF;
	s21 =	sshll.u32 s6, $0x1;
	s3 =	sadd.s32 s4, s19  }
0x9c: {  	s7 =	simm.s32 $0x0;
	s20 =	sshll.u32 s5, $0x1;
	s5 =	sadd.s32 s21, s3  }
0x9d: {  	[timem:s7], [sflag:s22] =	dma.local [hbm:s5], s20  }
0x9e: {  	_ =	swait.ge [sflag:s22], s20  }
0x9f: {  	s4 =	ssub.s32 $0x0, s20;
	[sflag:s22] =	ssyncset.done $0x0  }
0xa0: {  	[sflag:s22] =	ssyncadd.s32 s4;
	_ =	sdelay $0x1  }
0xa1: {  	s23 =	simm.s32 $0x1B8B  }
0xa2: {  	_ =	swait.ge [sflag:s23], $0x1  }
0xa3: {  	[sflag:s23] =	ssyncset.done $0x0  }
0xa4: {  	s25 =	simm.s32 $0x1B8E;
	s24 =	sld [smem:$0x3FFE];
	[sflag:s23] =	ssyncadd.s32 $0xFFFFFFFF  }
0xa5: {  	s26 =	simm.s32 $execute0_lowered;
	[smem:$0x3FD2] =	sst s25  }
0xa6: {  	s5 =	sshll.u32 s26, $0x1;
	_ =	strace $0x8000004C;
	[dreg:$0x1] =	wrdreg $0xFFFFFFFF  }
0xa7: {  	s28 =	simm.s32 $_size_execute0_lowered;
	s3 =	sadd.s32 s3, s5;
	[dreg:$0x0] =	wrdreg $0x0  }
0xa8: {  	s5 =	sshll.u32 s28, $0x1;
	[dreg:$0x2] =	wrdreg s3  }
0xa9: {  	[dreg:$0x3] =	wrdreg s5  }
0xaa: {  	[dreg:$0x4] =	wrdreg $0xC0  }
0xab: {  	_ =	task [dreg:s7], $0x5FFFF  }
0xac: {  	[dreg:$0x1] =	wrdreg $0xFFFFFFFF  }
0xad: {  	[dreg:$0x0] =	wrdreg $0x60  }
0xae: {  	[dreg:$0x2] =	wrdreg s24  }
0xaf: {  	[dreg:$0x3] =	wrdreg s2  }
0xb0: {  	[dreg:$0x4] =	wrdreg $0x9  }
0xb1: {  	_ =	task.clear_ibuf [dreg:s7], $0x5FFFF;
	_ =	strace $0x9000004C  }
0xb2: {  	s29 =	simm.s32 $0x9;
	_ =	strace $0x8000004E  }
0xb3: {  	_ =	swait.ge [sflag:s29], $0x1  }
0xb4: {  	[sflag:s29] =	ssyncadd.s32 $0xFFFFFFFF  }
0xb5: {  	_ =	strace $0x9000004E  }
0xb6: {  	_ =	sfence  }
0xb7: {  	s30 =	sld [smem:$0x0];
	_ =	sdelay $0x2  }
0xb8: {  	s31 =	sshll.u32 s1, $0xD;
	s1 =	sshrl.u32 s1, $0x2  }
0xb9: {  	s3 =	sand.u32 $0x4000, s31;
	s1 =	sadd.s32 s1, s30  }
0xba: {  	s0 =	sor.u32 s3, s0;
	s1 =	sshll.u32 s1, $0x11  }
0xbb: {  	s0 =	sor.u32 s1, s0  }
0xbc: {  	s0 =	sadd.s32 $0x8F2B, s0  }
0xbd: {  	[sflag:s0] =	ssyncadd.remote.s32 $0x1  }
0xbe: {  	_ =	sfence.sel $0xFFFF  }
0xbf: {  	[dreg:$0x0] =	wrdreg $0xFFFFFFFF;
	(pc) =	sbr.abs _section_cstart, $3  }
0xc0: {  	[dreg:$0x1] =	wrdreg $0xFFFFFFFF  }
0xc1: {  	_ =	task.clear_ibuf [dreg:s7], $0x2FFFF;
	_ =	strace $0x9FFFFFFF  }
0xc2: {  	(tm) =	ssettm $0x7FFFFFFF  }
0xc3: {  	_ =	shalt  }
tec
execute0_lowered:
.L_overlay_start_1:
0x0: {  	(tag) =	ssettag $0x1  }
0x1: {  	s7 =	rddreg [dreg:$0x0]  }
0x2: {  	s2 =	rddreg [dreg:$0x1]  }
0x3: {  	s0 =	rddreg [dreg:$0x2];
	s4 =	srdreg.scid  }
0x4: {  	s1 =	stileid.u32;
	s3 =	simm.s32 $0x0;
	s13 =	simm.s32 $0xA400  }
0x5: {  	s14 =	simm.s32 $0xA280;
	s15 =	simm.s32 $0x0;
	s5 =	sand.u32 $0x1, s4  }
0x6: {  	s31 =	sshll.u32 s1, $0x1;
	[smem:$0x7FF] =	sst s3;
	s6 =	sadd.s32 $0x6E6E00, s7  }
0x7: {  	s4 =	sor.u32 s5, s31;
	_ =	strace $0x8000004D;
	s9 =	ssub.s32 $0x2, s5  }
0x8: {  	s8 =	smul.u32 $0x1400, s4;
	s10 =	sshrl.u32 s9, $0x1;
	s12 =	sshll.u32 s4, $0x6  }
0x9: {  	s5 =	sadd.s32 $0x154C00, s7;
	s10 =	ssub.s32 s9, s10;
	s12 =	sshrl.u32 s12, $0x2  }
0xa: {  	s11 =	sadd.s32 s8, s7;
	s7 =	smul.u32 $0xFFFFFEC0, s4;
	s8 =	sadd.s32 $0x3FEA, s1  }
0xb: {  	v0 =	vimm.f32 $-Inf;
	s10 =	smax.u32 s10, $0x1;
	s9 =	sadd.s32 $0x2600, s11;
	s11 =	simm.s32 $0x1  }
.LBB2_1:
0xc: {  	s16 =	simm.s32 $0xA000  }
0xd: {  	[tilespmem:s16], [sflag:$0x1] =	stream.linear.gather [hbm4b:s5+s3], $0x200, $0x38;
	[tilespmem:$0x12400] =	vst v63  }
0xe: {  	_ =	swait.ge [sflag:s11], $0x200  }
0xf: {  	[sflag:s11] =	ssyncset.done $0x0  }
0x10: {  	[sflag:s11] =	ssyncadd.s32 $0xFFFFFE00  }
0x11: {  	v1 =	vld [tilespmem:s16+$0x0]  }
0x12: {  	s30 =	simm.s32 $0xA010  }
0x13: {  	s31 =	simm.s32 $0xA020;
	v2 =	vld [tilespmem:s30+$0x0]  }
0x14: {  	v3 =	vld [tilespmem:s31+$0x0];
	_ =	sdelay $0x1  }
0x15: {  	(v2sf) =	vpush v1, $0x0;
	_ =	sdelay $0x1  }
0x16: {  	(v2sf) =	vpush v2, $0x0  }
0x17: {  	(v2sf) =	vpush v3, $0x0;
	_ =	sdelay $0x7  }
0x18: {  	s17 =	simm.s32 $0x1;
	s19 =	simm.s32 $0x3;
	s20 =	simm.s32 $0xA030  }
0x19: {  	s21 =	simm.s32 $0x0;
	s18 =	simm.s32 $0x0;
	s16 =	simm.s32 $0x2  }
.LBB2_2:
0x1a: {  	v1 =	vld [tilespmem:s20+$0x0];
	p0 =	sne.s32 s19, $0x1F;
	s22 =	smov.u32 s19;
	s19 =	sadd.s32 $0x1, s19  }
.Ltmp0:
0x1b: {  	(pc) =	sbr.rel @p0 .LBB2_2-.Ltmp0, $4  }
0x1c: {  	p1 =	slt.u32 s21, s4;
	s21 =	smov.u32 s17;
	s23 =	spop (v2sf)  }
0x1d: {  	s17 =	smov.u32 s16;
	s16 =	smov.u32 s22;
	s23 =	simm.s32 @!p1 $0x0  }
0x1e: {  	s18 =	sadd.s32 s18, s23  }
0x1f: {  	s20 =	sadd.s32 $0x10, s20;
	(v2sf) =	vpush v1, $0x0  }
0x20: {  	_ =	sdelay $0xa  }
0x21: {  	p0 =	slt.u32 s21, s4;
	s19 =	spop (v2sf)  }
0x22: {  	s19 =	simm.s32 @!p0 $0x0  }
0x23: {  	p0 =	slt.u32 s17, s4;
	s17 =	spop (v2sf);
	s18 =	sadd.s32 s18, s19  }
0x24: {  	s17 =	simm.s32 @!p0 $0x0;
	p0 =	slt.u32 s16, s4;
	s16 =	spop (v2sf)  }
0x25: {  	s17 =	sadd.s32 s18, s17;
	s16 =	simm.s32 @!p0 $0x0  }
0x26: {  	v1 =	vld [tilespmem:s12+$0xA000];
	s18 =	simm.s32 $0x200;
	s16 =	sadd.s32 s17, s16;
	s17 =	simm.s32 $0x0  }
.LBB2_4:
0x27: {  	p0 =	seq.s32 s18, $0x27E00;
	[tilespmem:s17+$0x70] =	vst v0  }
0x28: {  	[tilespmem:s17+$0x0] =	vst v0  }
0x29: {  	[tilespmem:s17+$0x10] =	vst v0  }
.Ltmp1:
0x2a: {  	[tilespmem:s17+$0x20] =	vst v0;
	(pc) =	sbr.rel @!p0 .LBB2_4-.Ltmp1, $4  }
0x2b: {  	[tilespmem:s17+$0x30] =	vst v0  }
0x2c: {  	[tilespmem:s17+$0x40] =	vst v0  }
0x2d: {  	[tilespmem:s17+$0x50] =	vst v0  }
0x2e: {  	[tilespmem:s17+$0x60] =	vst v0;
	s17 =	sshra.s32 s18, $0x2;
	s18 =	sadd.s32 $0x200, s18  }
0x2f: {  	(v2sf) =	vpush v1, $0x0;
	_ =	sdelay $0x7  }
0x30: {  	[tilespmem:s17+$0x70] =	vst v0  }
0x31: {  	[tilespmem:s17+$0x0] =	vst v0  }
0x32: {  	[tilespmem:s17+$0x10] =	vst v0  }
0x33: {  	[tilespmem:s17+$0x20] =	vst v0  }
0x34: {  	[tilespmem:s17+$0x30] =	vst v0  }
0x35: {  	[tilespmem:s17+$0x40] =	vst v0  }
0x36: {  	[tilespmem:s17+$0x50] =	vst v0  }
0x37: {  	[tilespmem:s17+$0x60] =	vst v0;
	s17 =	spop (v2sf)  }
0x38: {  	p0 =	slt.s32 s17, $0x1  }
.Ltmp2:
0x39: {  	_ = 	snop;
	(pc) =	sbr.rel @p0 .LBB2_10-.Ltmp2, $1  }
0x3a: {  	_ =	sdelay $0x3  }
0x3b: {  	s19 =	sand.u32 $0x7, s16;
	s18 =	simm.s32 $0x0  }
0x3c: {  	s20 =	simm.s32 $0x0;
	p0 =	seq.s32 s19, $0x0;
	s19 =	simm.s32 $0x0  }
.LBB2_7:
0x3d: {  	s20 =	sadd.s32 s16, s20  }
0x3e: {  	s21 =	sshll.u32 s20, $0x4  }
0x3f: {  	s21 =	sand.u32 $0xFFFFF80, s21  }
0x40: {  	s21 =	sadd.s32 s6, s21  }
0x41: {  	[tilespmem:s13], [sflag:$0x1] =	stream.linear.gather [hbm4b:s21+s3], $0x8000, $0x38;
	[tilespmem:$0x12400] =	vst v63  }
0x42: {  	_ =	swait.ge [sflag:s11], $0x8000  }
0x43: {  	s21 =	sld [smem:$0x7FF];
	_ =	sdelay $0x2  }
0x44: {  	p1 =	sne.s32 @!p0 s21, $0x1  }
0x45: {  	[sflag:s11] =	ssyncset.done $0x0;
	p1 =	por !p1, p0  }
0x46: {  	[sflag:s11] =	ssyncadd.s32 $0xFFFF8000;
	s21 =	sor.u32 @!p1 $0x100000, s8  }
0x47: {  	[smem:s21], [sflag:$0x0] =	smem.add.s32 @!p1 $0x55;
	s21 =	simm.s32 @!p1 $0x0  }
0x48: {  	s22 =	simm.s32 @!p1 $0x1;
	_ =	swait.done @!p1 [sflag:s21]  }
0x49: {  	[smem:$0x7FF] =	sst @!p1 s22  }
0x4a: {  	s20 =	sshrl.u32 s20, $0x3;
	_ =	sint @!p1 $0x2  }
0x4b: {  	s20 =	sadd.s32 s2, s20;
	_ =	swait.notdone @!p1 [sflag:s21]  }
0x4c: {  	[tilespmem:s14], [sflag:$0x1] =	stream.linear.gather [hbm4b:s20+s18], $0x100, $0x38;
	[tilespmem:$0x12400] =	vst v63  }
0x4d: {  	_ =	swait.ge [sflag:s11], $0x100  }
0x4e: {  	[sflag:s11] =	ssyncset.done $0x0  }
0x4f: {  	s30 =	simm.s32 $0x0;
	[sflag:s11] =	ssyncadd.s32 $0xFFFFFF00  }
0x50: {  	v1 =	vld [tilespmem:s30+$0xA280];
	_ =	sdelay $0x4  }
0x51: {  	(v2sf) =	vpush v1, $0x0;
	_ =	sdelay $0xe  }
0x52: {  	s31 =	spop (v2sf)  }
0x53: {  	s21 =	sadd.s32 s7, s31  }
0x54: {  	p1 =	sgt.u32 s21, $0x13F  }
0x55: {  	s20 =	simm.s32 $0xA440;
	s21 =	sshll.u32 @!p1 s21, $0x7  }
0x56: {  	v1 =	vld @!p1 [tilespmem:s20+$0xFFFFFFC0];
	s21 =	sand.u32 @!p1 $0x3FFFFF80, s21  }
0x57: {  	v2 =	vld @!p1 [tilespmem:s21+$0x0];
	_ =	sdelay $0x4  }
0x58: {  	v1 =	vmax.f32 @!p1 v2, v1  }
0x59: {  	[tilespmem:s21+$0x0] =	vst @!p1 v1;
	v1 =	vld @!p1 [tilespmem:s21+$0x10]  }
0x5a: {  	v2 =	vld @!p1 [tilespmem:s20+$0xFFFFFFD0];
	_ =	sdelay $0x4  }
0x5b: {  	v1 =	vmax.f32 @!p1 v1, v2  }
0x5c: {  	[tilespmem:s21+$0x10] =	vst @!p1 v1;
	v1 =	vld @!p1 [tilespmem:s21+$0x20]  }
0x5d: {  	v2 =	vld @!p1 [tilespmem:s20+$0xFFFFFFE0];
	_ =	sdelay $0x4  }
0x5e: {  	v1 =	vmax.f32 @!p1 v1, v2  }
0x5f: {  	[tilespmem:s21+$0x20] =	vst @!p1 v1;
	v1 =	vld @!p1 [tilespmem:s21+$0x30]  }
0x60: {  	v2 =	vld @!p1 [tilespmem:s20+$0xFFFFFFF0];
	_ =	sdelay $0x4  }
0x61: {  	v1 =	vmax.f32 @!p1 v1, v2  }
0x62: {  	[tilespmem:s21+$0x30] =	vst @!p1 v1;
	v1 =	vld @!p1 [tilespmem:s21+$0x40]  }
0x63: {  	v2 =	vld @!p1 [tilespmem:s20+$0x0];
	_ =	sdelay $0x4  }
0x64: {  	v1 =	vmax.f32 @!p1 v1, v2  }
0x65: {  	[tilespmem:s21+$0x40] =	vst @!p1 v1;
	v1 =	vld @!p1 [tilespmem:s21+$0x50]  }
0x66: {  	v2 =	vld @!p1 [tilespmem:s20+$0x10];
	_ =	sdelay $0x4  }
0x67: {  	v1 =	vmax.f32 @!p1 v1, v2  }
0x68: {  	[tilespmem:s21+$0x50] =	vst @!p1 v1;
	v1 =	vld @!p1 [tilespmem:s21+$0x60]  }
0x69: {  	v2 =	vld @!p1 [tilespmem:s20+$0x20];
	_ =	sdelay $0x4  }
0x6a: {  	v1 =	vmax.f32 @!p1 v1, v2  }
0x6b: {  	v3 =	vld @!p1 [tilespmem:s21+$0x70];
	[tilespmem:s21+$0x60] =	vst @!p1 v1  }
0x6c: {  	v1 =	vld @!p1 [tilespmem:s20+$0x30];
	_ =	sdelay $0x4  }
0x6d: {  	s22 =	simm.s32 $0x4;
	v1 =	vmax.f32 @!p1 v3, v1  }
.LBB2_8:
0x6e: {  	s23 =	sshra.s32 s22, $0x2;
	s22 =	sadd.s32 $0x4, s22;
	[tilespmem:s21+$0x70] =	vst @!p1 v1  }
0x6f: {  	v1 =	vld [tilespmem:s23+$0xA280];
	p2 =	sne.s32 s22, $0x400;
	_ =	sdelay $0x4  }
0x70: {  	(v2sf) =	vpush v1, $0x0;
	_ =	sdelay $0xe  }
0x71: {  	s21 =	spop (v2sf)  }
0x72: {  	s21 =	sadd.s32 s7, s21  }
0x73: {  	p1 =	sgt.u32 s21, $0x13F  }
0x74: {  	s20 =	sadd.s32 $0x80, s20;
	s21 =	sshll.u32 @!p1 s21, $0x7  }
0x75: {  	s21 =	sand.u32 @!p1 $0x3FFFFF80, s21;
	v1 =	vld @!p1 [tilespmem:s20+$0xFFFFFFC0]  }
0x76: {  	v2 =	vld @!p1 [tilespmem:s21+$0x0]  }
0x77: {  	v3 =	vld @!p1 [tilespmem:s21+$0x70];
	_ =	sdelay $0x3  }
0x78: {  	v1 =	vmax.f32 @!p1 v2, v1  }
0x79: {  	[tilespmem:s21+$0x0] =	vst @!p1 v1;
	v1 =	vld @!p1 [tilespmem:s21+$0x10]  }
0x7a: {  	v2 =	vld @!p1 [tilespmem:s20+$0xFFFFFFD0];
	_ =	sdelay $0x4  }
0x7b: {  	v1 =	vmax.f32 @!p1 v1, v2  }
0x7c: {  	[tilespmem:s21+$0x10] =	vst @!p1 v1;
	v1 =	vld @!p1 [tilespmem:s21+$0x20]  }
0x7d: {  	v2 =	vld @!p1 [tilespmem:s20+$0xFFFFFFE0];
	_ =	sdelay $0x4  }
0x7e: {  	v1 =	vmax.f32 @!p1 v1, v2  }
0x7f: {  	[tilespmem:s21+$0x20] =	vst @!p1 v1;
	v1 =	vld @!p1 [tilespmem:s21+$0x30]  }
0x80: {  	v2 =	vld @!p1 [tilespmem:s20+$0xFFFFFFF0];
	_ =	sdelay $0x4  }
0x81: {  	v1 =	vmax.f32 @!p1 v1, v2  }
0x82: {  	[tilespmem:s21+$0x30] =	vst @!p1 v1;
	v1 =	vld @!p1 [tilespmem:s21+$0x40]  }
0x83: {  	v2 =	vld @!p1 [tilespmem:s20+$0x0];
	_ =	sdelay $0x4  }
0x84: {  	v1 =	vmax.f32 @!p1 v1, v2  }
0x85: {  	[tilespmem:s21+$0x40] =	vst @!p1 v1;
	v1 =	vld @!p1 [tilespmem:s21+$0x50]  }
0x86: {  	v2 =	vld @!p1 [tilespmem:s20+$0x10];
	_ =	sdelay $0x4  }
0x87: {  	v1 =	vmax.f32 @!p1 v1, v2  }
0x88: {  	[tilespmem:s21+$0x50] =	vst @!p1 v1;
	v1 =	vld @!p1 [tilespmem:s21+$0x60]  }
0x89: {  	v2 =	vld @!p1 [tilespmem:s20+$0x20];
	_ =	sdelay $0x4  }
0x8a: {  	v1 =	vmax.f32 @!p1 v1, v2  }
0x8b: {  	[tilespmem:s21+$0x60] =	vst @!p1 v1  }
0x8c: {  	v1 =	vld @!p1 [tilespmem:s20+$0x30]  }
.Ltmp3:
0x8d: {  	(pc) =	sbr.rel @p2 .LBB2_8-.Ltmp3, $2  }
0x8e: {  	_ =	sdelay $0x2  }
0x8f: {  	v1 =	vmax.f32 @!p1 v3, v1  }
0x90: {  	s19 =	sadd.s32 $0x1, s19  }
0x91: {  	s20 =	sshll.u32 s19, $0x8  }
0x92: {  	p2 =	slt.s32 s20, s17  }
.Ltmp4:
0x93: {  	_ = 	snop;
	(pc) =	sbr.rel @p2 .LBB2_7-.Ltmp4, $2  }
0x94: {  	_ =	sdelay $0x2  }
0x95: {  	[tilespmem:s21+$0x70] =	vst @!p1 v1  }
.LBB2_10:
0x96: {  	s16 =	simm.s32 $0x0  }
0x97: {  	v3 =	vld [tilespmem:s16+$0x0]  }
0x98: {  	v6 =	vld [tilespmem:s16+$0x10]  }
0x99: {  	v5 =	vld [tilespmem:s16+$0x20]  }
0x9a: {  	v4 =	vld [tilespmem:s16+$0x30]  }
0x9b: {  	v1 =	vld [tilespmem:s16+$0x40]  }
0x9c: {  	v2 =	vld [tilespmem:s16+$0x50];
	vm0 =	veq.f32 v3, $-Inf  }
0x9d: {  	s17 =	simm.s32 $0x200;
	v7 =	vsel vm0, $0x0, v3;
	vm0 =	veq.f32 v6, $-Inf;
	v3 =	vld [tilespmem:s16+$0x60]  }
.LBB2_11:
0x9e: {  	s18 =	sshra.s32 s17, $0x2;
	p0 =	sne.s32 s17, $0x27E00;
	[tilespmem:s16+$0x0] =	vst v7;
	v6 =	vsel vm0, $0x0, v6;
	vm0 =	veq.f32 v5, $-Inf;
	v7 =	vld [tilespmem:s16+$0x70]  }
0x9f: {  	v8 =	vld [tilespmem:s18+$0x0];
	[tilespmem:s16+$0x10] =	vst v6;
	v5 =	vsel vm0, $0x0, v5;
	vm0 =	veq.f32 v4, $-Inf  }
0xa0: {  	v6 =	vld [tilespmem:s18+$0x10];
	[tilespmem:s16+$0x20] =	vst v5;
	v4 =	vsel vm0, $0x0, v4;
	vm0 =	veq.f32 v1, $-Inf  }
.Ltmp5:
0xa1: {  	v5 =	vld [tilespmem:s18+$0x20];
	[tilespmem:s16+$0x30] =	vst v4;
	v1 =	vsel vm0, $0x0, v1;
	vm0 =	veq.f32 v2, $-Inf;
	(pc) =	sbr.rel @p0 .LBB2_11-.Ltmp5, $4  }
0xa2: {  	v4 =	vld [tilespmem:s18+$0x30];
	[tilespmem:s16+$0x40] =	vst v1;
	v2 =	vsel vm0, $0x0, v2;
	vm0 =	veq.f32 v3, $-Inf  }
0xa3: {  	v1 =	vld [tilespmem:s18+$0x40];
	[tilespmem:s16+$0x50] =	vst v2;
	v3 =	vsel vm0, $0x0, v3;
	vm0 =	veq.f32 v7, $-Inf  }
0xa4: {  	vm1 =	veq.f32 v8, $-Inf;
	v2 =	vld [tilespmem:s18+$0x50];
	[tilespmem:s16+$0x60] =	vst v3;
	v9 =	vsel vm0, $0x0, v7  }
0xa5: {  	s17 =	sadd.s32 $0x200, s17;
	v7 =	vsel vm1, $0x0, v8;
	vm0 =	veq.f32 v6, $-Inf;
	v3 =	vld [tilespmem:s18+$0x60];
	[tilespmem:s16+$0x70] =	vst v9;
	s16 =	smov.u32 s18  }
0xa6: {  	[tilespmem:s16+$0x0] =	vst v7;
	v6 =	vsel vm0, $0x0, v6;
	vm10 =	veq.f32 v5, $-Inf;
	v63 =	vld [tilespmem:s16+$0x70]  }
0xa7: {  	[tilespmem:s16+$0x10] =	vst v6;
	v5 =	vsel vm10, $0x0, v5;
	vm11 =	veq.f32 v4, $-Inf  }
0xa8: {  	[tilespmem:s16+$0x20] =	vst v5;
	v4 =	vsel vm11, $0x0, v4;
	vm12 =	veq.f32 v1, $-Inf  }
0xa9: {  	[tilespmem:s16+$0x30] =	vst v4;
	v1 =	vsel vm12, $0x0, v1;
	vm13 =	veq.f32 v2, $-Inf  }
0xaa: {  	[tilespmem:s16+$0x40] =	vst v1;
	v1 =	vsel vm13, $0x0, v2;
	vm14 =	veq.f32 v3, $-Inf  }
0xab: {  	s15 =	sadd.s32 $0x1, s15;
	[tilespmem:s16+$0x50] =	vst v1;
	v1 =	vsel vm14, $0x0, v3;
	vm15 =	veq.f32 v63, $-Inf  }
0xac: {  	p0 =	sne.s32 s15, s10;
	[tilespmem:s16+$0x60] =	vst v1;
	v1 =	vsel vm15, $0x0, v63  }
.Ltmp6:
0xad: {  	[tilespmem:s16+$0x70] =	vst v1;
	(pc) =	sbr.rel @p0 .LBB2_1-.Ltmp6, $4  }
0xae: {  	[hbm4b:s9+s3] =	stream.linear.scatter [tilespmem:s3], [sflag:$0x1], $0xA000, $0x38;
	[tilespmem:$0x12400] =	vst v63  }
0xaf: {  	_ =	swait.ge [sflag:s11], $0xA000  }
0xb0: {  	[sflag:s11] =	ssyncset.done $0x0  }
0xb1: {  	[sflag:s11] =	ssyncadd.s32 $0xFFFF6000  }
0xb2: {  	_ =	sfence.sel $0x180000  }
0xb3: {  	[bflag:$0x0] =	sbarrier.arrive $0xFFFF  }
0xb4: {  	p0 =	sne.s32 s1, $0x0;
	_ =	strace $0x9000004D  }
0xb5: {  	s0 =	sadd.s32 @!p0 $0x100000, s0;
	[bflag:$0x2] =	sbarrier.arrive $0xFFFF  }
0xb6: {  	[sflag:s0] =	ssyncadd.tile.s32 @!p0 $0x1;
	_ =	shalt  }
.Lfunc_end2:
_tile_overlayer_lowered:
.L_overlay_start_2:
0xb7: {  	(tag) =	ssettag $0x2  }
0xb8: {  	s0 =	rddreg [dreg:$0x0];
	s2 =	stileid.u32  }
0xb9: {  	s1 =	rddreg [dreg:$0x1];
	p0 =	sne.s32 s2, $0x0  }
0xba: {  	s3 =	rddreg [dreg:$0x2];
	[bflag:$0x3] =	sbarrier.arrive $0xFFFF;
	s2 =	simm.s32 @!p0 $0x1C01  }
0xbb: {  	[timem:s3], [sflag:s2] =	dma.local @!p0 [hbm:s0], s1  }
0xbc: {  	s0 =	simm.s32 @!p0 $0x1  }
0xbd: {  	_ =	swait.ge @!p0 [sflag:s0], s1  }
0xbe: {  	s1 =	ssub.s32 @!p0 $0x0, s1;
	[sflag:s0] =	ssyncset.done @!p0 $0x0  }
0xbf: {  	[sflag:s0] =	ssyncadd.s32 @!p0 s1  }
0xc0: {  	[bflag:$0x3] =	sbarrier.arrive $0xFFFF  }
0xc1: {  	_ =	shalt  }

// kernel: kernel.7.cloned.1.call-start
scs
__scs_entry_jumppad:
0x0: {  	(pc) =	sbr.rel $0x88, $3  }
0x1: {  	(tag) =	ssettag $0x0;
	lr =	simm.s32 $0x1  }
0x2: {  	[smem:$0x3F9A] =	sst lr;
	_ =	strace $0xD0000000  }
0x3: {  	_ = 	snop  }
0x4: {  	_ = 	snop  }
0x5: {  	_ = 	snop  }
0x6: {  	_ = 	snop  }
0x7: {  	_ = 	snop  }
__scs_overlays_trampoline_lowered:
0x8: {  	[smem:$0x3FA9] =	sst s0  }
0x9: {  	[smem:$0x3FAA] =	sst s1  }
0xa: {  	[smem:$0x3FAB] =	sst s2  }
0xb: {  	[smem:$0x3FAC] =	sst s3  }
0xc: {  	[smem:$0x3FAD] =	sst s4  }
0xd: {  	[smem:$0x3FAE] =	sst s5  }
0xe: {  	[smem:$0x3FAF] =	sst s6  }
0xf: {  	[smem:$0x3FB0] =	sst s7  }
0x10: {  	[smem:$0x3FB1] =	sst s8  }
0x11: {  	[smem:$0x3FB2] =	sst s9;
	s0 =	simm.s32 @!p0 $0x0  }
0x12: {  	s1 =	sld [smem:$0x3F98];
	s0 =	simm.s32 @p0 $0x1  }
0x13: {  	[smem:$0x3FB3] =	sst s0;
	s0 =	simm.s32 @!p1 $0x0  }
0x14: {  	s2 =	sld [smem:$0x3F97];
	s0 =	simm.s32 @p1 $0x1  }
0x15: {  	[smem:$0x3FB4] =	sst s0;
	s0 =	simm.s32 @!p2 $0x0  }
0x16: {  	s3 =	sld [smem:$0x3FDB];
	s0 =	simm.s32 @p2 $0x1  }
0x17: {  	s4 =	simm.s32 $0x1BF5;
	[smem:$0x3FB6] =	sst s0  }
0x18: {  	s0 =	sld [smem:$0x3F99];
	_ =	swait.ge [sflag:s4], $0x0  }
0x19: {  	s7 =	sld [smem:$0x3F9A]  }
0x1a: {  	s8 =	sadd.s32 $0xFFFFE003, lr  }
0x1b: {  	s9 =	sadd.s32 $0xFFFFFEF7, lr;
	s5 =	simm.s32 $0xFFFFFFFF;
	p2 =	slt.u32 s8, $0xFFFFF086  }
0x1c: {  	p1 =	slt.u32 s9, $0xF7A;
	s5 =	simm.s32 @!p2 $0x0  }
0x1d: {  	s5 =	simm.s32 @p1 $0x1;
	p0 =	seq.s32 s7, s2  }
0x1e: {  	s7 =	smul.u32 @!p0 $0xF7A, s2;
	p2 =	seq.s32 @!p0 s5, $0x0  }
0x1f: {  	s9 =	smul.u32 $0xF7A, s1;
	s8 =	simm.s32 @!p0 $0x1BF5;
	p2 =	por !p2, p0  }
0x20: {  	[sflag:s8] =	ssyncset.s32 @!p0 $0xFFFFF086;
	s6 =	sadd.s32 @!p0 s3, s7;
	s7 =	simm.s32 @!p0 $0x108  }
0x21: {  	s3 =	sadd.s32 s3, s9;
	s6 =	sadd.s32 @!p0 $0x88, s6;
	s7 =	simm.s32 @p2 $0x1082  }
0x22: {  	[simem:s7], [sflag:s8] =	dma.local @!p0 [hbm:s6], $0xF7A  }
0x23: {  	s9 =	sor.u32 $0xD0000000, s2;
	s6 =	simm.s32 $0x108;
	_ =	swait.ge @!p0 [sflag:s8], $0x0  }
0x24: {  	s3 =	sadd.s32 $0x88, s3;
	s6 =	simm.s32 @!p1 $0x1082;
	[sflag:s4] =	ssyncset.s32 $0xFFFFF086  }
0x25: {  	[simem:s6], [sflag:s4] =	dma.local [hbm:s3], $0xF7A  }
0x26: {  	[smem:$0x3F9A] =	sst s1;
	(tag) =	ssettag s2;
	_ =	strace s9  }
0x27: {  	s1 =	sld [smem:$0x3FAA]  }
0x28: {  	s2 =	sld [smem:$0x3FAB]  }
0x29: {  	s4 =	sld [smem:$0x3FAD]  }
0x2a: {  	p0 =	seq.s32 s5, $0x0;
	s5 =	sld [smem:$0x3FAE]  }
0x2b: {  	s6 =	sld [smem:$0x3FAF]  }
0x2c: {  	s7 =	sld [smem:$0x3FB0]  }
0x2d: {  	s3 =	simm.s32 $0x108;
	s8 =	sld [smem:$0x3FB1]  }
0x2e: {  	s3 =	simm.s32 @!p0 $0x1082;
	s9 =	sld [smem:$0x3FB2]  }
0x2f: {  	lr =	sadd.s32 s0, s3;
	s0 =	sld [smem:$0x3FA9]  }
0x30: {  	s3 =	sld [smem:$0x3FAC]  }
0x31: {  	[smem:$0x3FB5] =	sst s10  }
0x32: {  	s10 =	sld [smem:$0x3FB3];
	_ =	sdelay $0x3  }
0x33: {  	p0 =	seq.s32 s10, $0x1;
	s10 =	sld [smem:$0x3FB5];
	_ =	sdelay $0x3  }
0x34: {  	[smem:$0x3FB5] =	sst s10  }
0x35: {  	s10 =	sld [smem:$0x3FB4];
	_ =	sdelay $0x3  }
0x36: {  	p1 =	seq.s32 s10, $0x1;
	s10 =	sld [smem:$0x3FB5];
	_ =	sdelay $0x3  }
0x37: {  	[smem:$0x3FB5] =	sst s10  }
0x38: {  	s10 =	sld [smem:$0x3FB6]  }
0x39: {  	_ = 	snop;
	(pc) =	sbr.ind lr, $3  }
0x3a: {  	_ = 	snop  }
0x3b: {  	_ = 	snop  }
0x3c: {  	p2 =	seq.s32 s10, $0x1;
	s10 =	sld [smem:$0x3FB5]  }
0x3d: {  	_ =	shalt  }
0x3e: {  	_ =	shalt  }
0x3f: {  	_ =	shalt  }
0x40: {  	_ =	shalt  }
0x41: {  	_ =	shalt  }
0x42: {  	_ =	shalt  }
0x43: {  	_ =	shalt  }
0x44: {  	_ =	shalt  }
0x45: {  	_ =	shalt  }
0x46: {  	_ =	shalt  }
0x47: {  	_ =	shalt  }
0x48: {  	_ =	shalt  }
0x49: {  	_ =	shalt  }
0x4a: {  	_ =	shalt  }
0x4b: {  	_ =	shalt  }
0x4c: {  	_ =	shalt  }
0x4d: {  	_ =	shalt  }
0x4e: {  	_ =	shalt  }
0x4f: {  	_ =	shalt  }
0x50: {  	_ =	shalt  }
0x51: {  	_ =	shalt  }
0x52: {  	_ =	shalt  }
0x53: {  	_ =	shalt  }
0x54: {  	_ =	shalt  }
0x55: {  	_ =	shalt  }
0x56: {  	_ =	shalt  }
0x57: {  	_ =	shalt  }
0x58: {  	_ =	shalt  }
0x59: {  	_ =	shalt  }
0x5a: {  	_ =	shalt  }
0x5b: {  	_ =	shalt  }
0x5c: {  	_ =	shalt  }
0x5d: {  	_ =	shalt  }
0x5e: {  	_ =	shalt  }
0x5f: {  	_ =	shalt  }
0x60: {  	_ =	shalt  }
0x61: {  	_ =	shalt  }
0x62: {  	_ =	shalt  }
0x63: {  	_ =	shalt  }
0x64: {  	_ =	shalt  }
0x65: {  	_ =	shalt  }
0x66: {  	_ =	shalt  }
0x67: {  	_ =	shalt  }
0x68: {  	_ =	shalt  }
0x69: {  	_ =	shalt  }
0x6a: {  	_ =	shalt  }
0x6b: {  	_ =	shalt  }
0x6c: {  	_ =	shalt  }
0x6d: {  	_ =	shalt  }
0x6e: {  	_ =	shalt  }
0x6f: {  	_ =	shalt  }
0x70: {  	_ =	shalt  }
0x71: {  	_ =	shalt  }
0x72: {  	_ =	shalt  }
0x73: {  	_ =	shalt  }
0x74: {  	_ =	shalt  }
0x75: {  	_ =	shalt  }
0x76: {  	_ =	shalt  }
0x77: {  	_ =	shalt  }
0x78: {  	_ =	shalt  }
0x79: {  	_ =	shalt  }
0x7a: {  	_ =	shalt  }
0x7b: {  	_ =	shalt  }
0x7c: {  	_ =	shalt  }
0x7d: {  	_ =	shalt  }
0x7e: {  	_ =	shalt  }
0x7f: {  	_ =	shalt  }
0x80: {  	_ =	shalt  }
0x81: {  	_ =	shalt  }
0x82: {  	_ =	shalt  }
0x83: {  	_ =	shalt  }
0x84: {  	_ =	shalt  }
0x85: {  	_ =	shalt  }
0x86: {  	_ =	shalt  }
0x87: {  	_ =	shalt  }
.Lfunc_end0:
.L_simem_size_0:
called_computation_lowered:
.L_overlay_start_0:
0x88: {  	s2 =	sld [smem:$0x3FD9]  }
0x89: {  	s3 =	sld [smem:$0x3FFE];
	_ =	sdelay $0x1  }
0x8a: {  	s1 =	srdreg.scid  }
0x8b: {  	s0 =	sand.u32 $0x1, s1  }
0x8c: {  	s17 =	sshll.u32 s0, $0xA;
	s2 =	sadd.s32 s3, s2  }
0x8d: {  	s2 =	sadd.s32 s2, s17  }
0x8e: {  	[smem:$0x3FC1] =	sst s2  }
0x8f: {  	_ = 	snop  }
0x90: {  	s2 =	sld [smem:$0x3FD0];
	(tm) =	ssettm $0x1  }
0x91: {  	s18 =	sld [smem:$0x3FFB];
	_ =	sdelay $0x3  }
0x92: {  	_ =	strace s18  }
0x93: {  	s3 =	sld [smem:$0x3FFC];
	_ =	sdelay $0x3  }
0x94: {  	_ =	strace s3  }
0x95: {  	s3 =	sld [smem:$0x3FFD];
	_ =	sdelay $0x3  }
0x96: {  	_ =	strace s3  }
0x97: {  	_ =	strace $0x8FFFFFFF  }
0x98: {  	s19 =	sld [smem:$0x3FDB];
	_ =	sdelay $0x1  }
0x99: {  	s4 =	simm.s32 $_scs_section_size  }
0x9a: {  	s5 =	simm.s32 $_size__tile_overlayer_lowered;
	s6 =	simm.s32 $_tile_overlayer_lowered  }
0x9b: {  	s22 =	simm.s32 $0x1BFF;
	s21 =	sshll.u32 s6, $0x1;
	s3 =	sadd.s32 s4, s19  }
0x9c: {  	s7 =	simm.s32 $0x0;
	s20 =	sshll.u32 s5, $0x1;
	s5 =	sadd.s32 s21, s3  }
0x9d: {  	[timem:s7], [sflag:s22] =	dma.local [hbm:s5], s20  }
0x9e: {  	_ =	swait.ge [sflag:s22], s20  }
0x9f: {  	s4 =	ssub.s32 $0x0, s20;
	[sflag:s22] =	ssyncset.done $0x0  }
0xa0: {  	[sflag:s22] =	ssyncadd.s32 s4;
	_ =	sdelay $0x1  }
0xa1: {  	s23 =	simm.s32 $0x1B8B  }
0xa2: {  	_ =	swait.ge [sflag:s23], $0x1  }
0xa3: {  	[sflag:s23] =	ssyncset.done $0x0  }
0xa4: {  	s25 =	simm.s32 $0x1B8E;
	s24 =	sld [smem:$0x3FFE];
	[sflag:s23] =	ssyncadd.s32 $0xFFFFFFFF  }
0xa5: {  	s26 =	simm.s32 $execute0_lowered;
	[smem:$0x3FD2] =	sst s25  }
0xa6: {  	s5 =	sshll.u32 s26, $0x1;
	_ =	strace $0x80000046;
	[dreg:$0x1] =	wrdreg $0xFFFFFFFF  }
0xa7: {  	s28 =	simm.s32 $_size_execute0_lowered;
	s3 =	sadd.s32 s3, s5;
	[dreg:$0x0] =	wrdreg $0x0  }
0xa8: {  	s5 =	sshll.u32 s28, $0x1;
	[dreg:$0x2] =	wrdreg s3  }
0xa9: {  	[dreg:$0x3] =	wrdreg s5  }
0xaa: {  	[dreg:$0x4] =	wrdreg $0xC0  }
0xab: {  	_ =	task [dreg:s7], $0x5FFFF  }
0xac: {  	[dreg:$0x1] =	wrdreg $0xFFFFFFFF  }
0xad: {  	[dreg:$0x0] =	wrdreg $0x60  }
0xae: {  	[dreg:$0x2] =	wrdreg s2  }
0xaf: {  	[dreg:$0x3] =	wrdreg s24  }
0xb0: {  	[dreg:$0x4] =	wrdreg $0x9  }
0xb1: {  	_ =	task.clear_ibuf [dreg:s7], $0x5FFFF;
	_ =	strace $0x90000046  }
0xb2: {  	s29 =	simm.s32 $0x9;
	_ =	strace $0x80000048  }
0xb3: {  	_ =	swait.ge [sflag:s29], $0x1  }
0xb4: {  	[sflag:s29] =	ssyncadd.s32 $0xFFFFFFFF  }
0xb5: {  	_ =	strace $0x90000048  }
0xb6: {  	_ =	sfence  }
0xb7: {  	s30 =	sld [smem:$0x0];
	_ =	sdelay $0x2  }
0xb8: {  	s31 =	sshll.u32 s1, $0xD;
	s1 =	sshrl.u32 s1, $0x2  }
0xb9: {  	s3 =	sand.u32 $0x4000, s31;
	s1 =	sadd.s32 s1, s30  }
0xba: {  	s0 =	sor.u32 s3, s0;
	s1 =	sshll.u32 s1, $0x11  }
0xbb: {  	s0 =	sor.u32 s1, s0  }
0xbc: {  	s0 =	sadd.s32 $0x8F2B, s0  }
0xbd: {  	[sflag:s0] =	ssyncadd.remote.s32 $0x1  }
0xbe: {  	_ =	sfence.sel $0xFFFF  }
0xbf: {  	[dreg:$0x0] =	wrdreg $0xFFFFFFFF;
	(pc) =	sbr.abs _section_cstart, $3  }
0xc0: {  	[dreg:$0x1] =	wrdreg $0xFFFFFFFF  }
0xc1: {  	_ =	task.clear_ibuf [dreg:s7], $0x2FFFF;
	_ =	strace $0x9FFFFFFF  }
0xc2: {  	(tm) =	ssettm $0x7FFFFFFF  }
0xc3: {  	_ =	shalt  }
tec
execute0_lowered:
.L_overlay_start_1:
0x0: {  	(tag) =	ssettag $0x1  }
0x1: {  	s1 =	rddreg [dreg:$0x0]  }
0x2: {  	s4 =	rddreg [dreg:$0x1]  }
0x3: {  	s0 =	rddreg [dreg:$0x2]  }
0x4: {  	s5 =	srdreg.scid;
	s2 =	stileid.u32  }
0x5: {  	s3 =	simm.s32 $0x0;
	s5 =	sand.u32 $0x1, s5;
	s6 =	sshll.u32 s2, $0x1  }
0x6: {  	s11 =	simm.s32 $0x0;
	[smem:$0x7FF] =	sst s3;
	s6 =	sor.u32 s5, s6  }
0x7: {  	_ =	strace $0x80000047;
	s5 =	ssub.s32 $0x2, s5;
	s7 =	sshll.u32 s6, $0x1  }
0x8: {  	s9 =	smul.u32 $0x140, s6;
	s8 =	sshrl.u32 s5, $0x1;
	s7 =	sadd.s32 s7, s4  }
0x9: {  	s4 =	sadd.s32 $0xC400, s4;
	s8 =	ssub.s32 s5, s8;
	s5 =	smul.u32 $0x52200, s6  }
0xa: {  	v2 =	vlaneseq.u32;
	s10 =	sadd.s32 $0x140, s9;
	s6 =	sadd.s32 $0x154C00, s7;
	s7 =	smax.u32 s8, $0x1  }
0xb: {  	v2 =	vmul.u32 $0x200, v2;
	s8 =	simm.s32 $0x1;
	v0 =	vmov s9;
	s9 =	simm.s32 $0x1F80;
	v1 =	vmov s10;
	s10 =	simm.s32 $0x3F80  }
.LBB2_1:
0xc: {  	s14 =	simm.s32 $0x0  }
0xd: {  	s13 =	simm.s32 $0x0;
	s12 =	simm.s32 $0x0;
	s15 =	simm.s32 $0x0  }
.LBB2_2:
0xe: {  	s16 =	smul.u32 $0x1F40, s15;
	_ =	sdelay $0x1  }
0xf: {  	s16 =	sshrl.u32 s16, $0x3  }
0x10: {  	s17 =	sadd.s32 s1, s16;
	s16 =	simm.s32 $0x0  }
0x11: {  	[tilespmem:s16], [sflag:$0x1] =	stream.linear.gather [hbm4b:s17+s16], $0x1F40, $0x38;
	[tilespmem:$0x4080] =	vst v63  }
0x12: {  	_ =	swait.ge [sflag:s8], $0x1F40  }
0x13: {  	[sflag:s8] =	ssyncset.done $0x0  }
0x14: {  	s31 =	simm.s32 $0x0;
	[sflag:s8] =	ssyncadd.s32 $0xFFFFE0C0  }
0x15: {  	v3 =	vld [tilespmem:s31+$0x0];
	_ =	sdelay $0x4  }
0x16: {  	vm0 =	vge.s32 v3, v0;
	vm1 =	vlt.s32 v3, v1  }
0x17: {  	vm0 =	vmand vm0, vm1  }
0x18: {  	v5 =	vmpcnt.ones.xlane vm0;
	_ =	sdelay $0x1  }
0x19: {  	(v2sf) =	vpush v5, $0x0  }
0x1a: {  	v4 =	vmov s14  }
0x1b: {  	v4 =	vshll.u32 v4, $0x9  }
0x1c: {  	v4 =	vor.u32 v2, v4  }
0x1d: {  	v4 =	vsub.s32 v4, v0  }
0x1e: {  	v3 =	vadd.s32 v3, v4  }
0x1f: {  	s19 =	simm.s32 $0x10;
	s18 =	simm.s32 $0x80;
	s17 =	smov.u32 s14;
	[tilespmem:s16+$0x1F80] =	vst.msk vm0, v3  }
.LBB2_3:
0x20: {  	p0 =	sne.s32 s18, $0x7CC0;
	v3 =	vld [tilespmem:s19+$0x0];
	s17 =	sadd.s32 $0x10, s17  }
0x21: {  	v4 =	vmov s17  }
0x22: {  	v4 =	vshll.u32 v4, $0x9  }
0x23: {  	v4 =	vor.u32 v2, v4  }
0x24: {  	v4 =	vsub.s32 v4, v0  }
0x25: {  	vm0 =	vge.s32 v3, v0;
	vm1 =	vlt.s32 v3, v1;
	v3 =	vadd.s32 v3, v4  }
0x26: {  	vm0 =	vmand vm0, vm1  }
0x27: {  	v4 =	vmpcnt.ones.xlane vm0  }
0x28: {  	s19 =	spop (v2sf)  }
0x29: {  	(v2sf) =	vpush v4, $0x0;
	s16 =	sadd.s32 s16, s19  }
0x2a: {  	[tilespmem:s16+$0x1F80] =	vst.msk vm0, v3  }
.Ltmp0:
0x2b: {  	(pc) =	sbr.rel @p0 .LBB2_3-.Ltmp0, $2  }
0x2c: {  	_ =	sdelay $0x2  }
0x2d: {  	s19 =	sshra.s32 s18, $0x2;
	s18 =	sadd.s32 $0x40, s18  }
0x2e: {  	v3 =	vld [tilespmem:s19+$0x0];
	_ =	sdelay $0x4  }
0x2f: {  	vm0 =	vge.s32 v3, v0;
	vm1 =	vlt.s32 v3, v1  }
0x30: {  	s17 =	sadd.s32 $0x10, s17;
	vm0 =	vmand vm0, vm1  }
0x31: {  	v4 =	vmov s17;
	v5 =	vmpcnt.ones.xlane vm0  }
0x32: {  	v4 =	vshll.u32 v4, $0x9  }
0x33: {  	v4 =	vor.u32 v2, v4;
	(v2sf) =	vpush v5, $0x0  }
0x34: {  	v4 =	vsub.s32 v4, v0;
	s28 =	spop (v2sf)  }
0x35: {  	v3 =	vadd.s32 v3, v4;
	s16 =	sadd.s32 s16, s28  }
0x36: {  	[tilespmem:s16+$0x1F80] =	vst.msk vm0, v3  }
0x37: {  	v3 =	vld [tilespmem:$0x1F80];
	_ =	sdelay $0x4  }
0x38: {  	(v2sf) =	vpush v3, $0x0;
	_ =	sdelay $0x5  }
0x39: {  	s29 =	spop (v2sf)  }
0x3a: {  	s16 =	sadd.s32 s16, s29  }
0x3b: {  	s17 =	sadd.s32 $0x7, s16  }
0x3c: {  	s31 =	sadd.s32 s5, s12;
	s15 =	sadd.s32 $0x1, s15;
	s30 =	sshra.s32 s17, $0x1F  }
0x3d: {  	v3 =	vbroadcast v3, $0x0;
	s18 =	sand.u32 $0x7, s17;
	p1 =	slt.s32 s17, $0x1;
	s19 =	sshrl.u32 s30, $0x1D  }
0x3e: {  	p0 =	sne.s32 s18, $0x0;
	s18 =	sshrl.u32 s31, $0x3;
	s17 =	sadd.s32 s19, s17  }
0x3f: {  	[tilespmem:s16+$0x1F80] =	vst v3;
	p0 =	por !p1, !p0;
	s18 =	sadd.s32 s4, s18;
	p1 =	seq.s32 s15, $0x28  }
0x40: {  	[hbm4b:s18+s3] =	stream.linear.scatter [tilespmem:s9], [sflag:$0x1], $0x2000, $0x38;
	[tilespmem:$0x4080] =	vst v63  }
.Ltmp1:
0x41: {  	s19 =	simm.s32 $0x1;
	p0 =	por !p0, !p0;
	(pc) =	sbr.rel @!p1 .LBB2_2-.Ltmp1, $4  }
0x42: {  	s17 =	sshrl.u32 s17, $0x3;
	s19 =	simm.s32 @!p0 $0x0;
	s18 =	spop (v2sf)  }
0x43: {  	s14 =	sadd.s32 $0x1F40, s14;
	s17 =	ssub.s32 s17, s19;
	_ =	swait.ge [sflag:s8], $0x2000  }
0x44: {  	p0 =	sgt.s32 s16, $0x0;
	s17 =	sshll.u32 s17, $0x3;
	[sflag:s8] =	ssyncset.done $0x0  }
0x45: {  	s13 =	smov.u32 @p0 s18;
	[sflag:s8] =	ssyncadd.s32 $0xFFFFE000;
	s12 =	sadd.s32 s12, s17  }
0x46: {  	v3 =	vmov s13  }
0x47: {  	[tilespmem:$0x3F80] =	vst v3  }
0x48: {  	[tilespmem:$0x3F90] =	vst v3  }
0x49: {  	[tilespmem:$0x3FA0] =	vst v3  }
0x4a: {  	[tilespmem:$0x3FB0] =	vst v3  }
0x4b: {  	[tilespmem:$0x3FC0] =	vst v3  }
0x4c: {  	[tilespmem:$0x3FD0] =	vst v3  }
0x4d: {  	[tilespmem:$0x3FE0] =	vst v3  }
0x4e: {  	[tilespmem:$0x3FF0] =	vst v3  }
0x4f: {  	[tilespmem:$0x4000] =	vst v3  }
0x50: {  	[tilespmem:$0x4010] =	vst v3  }
0x51: {  	[tilespmem:$0x4020] =	vst v3  }
0x52: {  	[tilespmem:$0x4030] =	vst v3  }
0x53: {  	[tilespmem:$0x4040] =	vst v3  }
0x54: {  	s29 =	sadd.s32 s5, s12;
	s30 =	sadd.s32 $0xFF, s12;
	[tilespmem:$0x4050] =	vst v3  }
0x55: {  	[tilespmem:$0x4060] =	vst v3;
	s13 =	sshrl.u32 s29, $0x3;
	s31 =	sshra.s32 s30, $0x1F  }
0x56: {  	[tilespmem:$0x4070] =	vst v3;
	s13 =	sadd.s32 s4, s13;
	s14 =	sshrl.u32 s31, $0x18  }
0x57: {  	[hbm4b:s13+s3] =	stream.linear.scatter [tilespmem:s10], [sflag:$0x1], $0x100, $0x38;
	[tilespmem:$0x4080] =	vst v63  }
0x58: {  	s12 =	sadd.s32 s14, s30  }
0x59: {  	s12 =	sshrl.u32 s12, $0x8  }
0x5a: {  	_ =	swait.ge [sflag:s8], $0x100;
	s12 =	sadd.s32 s31, s12  }
0x5b: {  	s11 =	sadd.s32 $0x1, s11;
	[sflag:s8] =	ssyncset.done $0x0;
	s12 =	sshll.u32 s12, $0x8  }
0x5c: {  	p0 =	seq.s32 s11, s7;
	[sflag:s8] =	ssyncadd.s32 $0xFFFFFF00;
	v3 =	vmov s12  }
.Ltmp2:
0x5d: {  	[tilespmem:$0x3F80] =	vst v3;
	(pc) =	sbr.rel @!p0 .LBB2_1-.Ltmp2, $4  }
0x5e: {  	[hbm4b:s6+s3] =	stream.linear.scatter [tilespmem:s10], [sflag:$0x1], $0x10, $0x38;
	[tilespmem:$0x4080] =	vst v63  }
0x5f: {  	_ =	swait.ge [sflag:s8], $0x10  }
0x60: {  	[sflag:s8] =	ssyncset.done $0x0  }
0x61: {  	[sflag:s8] =	ssyncadd.s32 $0xFFFFFFF0  }
0x62: {  	_ =	sfence.sel $0x180000  }
0x63: {  	[bflag:$0x0] =	sbarrier.arrive $0xFFFF  }
0x64: {  	p0 =	sne.s32 s2, $0x0;
	_ =	strace $0x90000047  }
0x65: {  	s0 =	sadd.s32 @!p0 $0x100000, s0;
	[bflag:$0x2] =	sbarrier.arrive $0xFFFF  }
0x66: {  	[sflag:s0] =	ssyncadd.tile.s32 @!p0 $0x1;
	_ =	shalt  }
.Lfunc_end2:
_tile_overlayer_lowered:
.L_overlay_start_2:
0x67: {  	(tag) =	ssettag $0x2  }
0x68: {  	s0 =	rddreg [dreg:$0x0];
	s2 =	stileid.u32  }
0x69: {  	s1 =	rddreg [dreg:$0x1];
	p0 =	sne.s32 s2, $0x0  }
0x6a: {  	s3 =	rddreg [dreg:$0x2];
	[bflag:$0x3] =	sbarrier.arrive $0xFFFF;
	s2 =	simm.s32 @!p0 $0x1C01  }
0x6b: {  	[timem:s3], [sflag:s2] =	dma.local @!p0 [hbm:s0], s1  }
0x6c: {  	s0 =	simm.s32 @!p0 $0x1  }
0x6d: {  	_ =	swait.ge @!p0 [sflag:s0], s1  }
0x6e: {  	s1 =	ssub.s32 @!p0 $0x0, s1;
	[sflag:s0] =	ssyncset.done @!p0 $0x0  }
0x6f: {  	[sflag:s0] =	ssyncadd.s32 @!p0 s1  }
0x70: {  	[bflag:$0x3] =	sbarrier.arrive $0xFFFF  }
0x71: {  	_ =	shalt  }

</sc_bundles>
